<compile_context>
chip_gen: v7x
topology: tpu7x:2x2x1
jax: 0.10.2.dev20260603
libtpu: 0.0.44.dev20260713+nightly
codegen_flags: <defaults>
</compile_context>

<pallas_src>
import functools

import jax
import jax.numpy as jnp
import numpy as np
from jax.experimental import pallas as pl
from jax.experimental.pallas import tpu as pltpu
from jax.experimental.pallas import tpu_sc as plsc

B = 8
P = 2048
NUM_CLASSES = 13


def _mlp_j(layers, x, mask=None, norm=True):
    n = len(layers)
    for i, p in enumerate(layers):
        x = jnp.matmul(x, p['w']) + p['b']
        if i < n - 1:
            if norm:
                red = tuple(range(x.ndim - 1))
                if mask is None:
                    m = jnp.mean(x, axis=red)
                    v = jnp.mean((x - m) ** 2, axis=red)
                else:
                    cnt = jnp.sum(mask) + 1e-6
                    m = jnp.sum(x * mask, axis=red) / cnt
                    v = jnp.sum(((x - m) ** 2) * mask, axis=red) / cnt
                x = (x - m) / jnp.sqrt(v + 1e-5) * p['gamma'] + p['beta']
            x = jax.nn.relu(x)
            if mask is not None:
                x = x * mask
    return x


def _fps_j(pos, S):
    d0 = jnp.sum((pos - pos[0]) ** 2, axis=-1)
    idxs = jnp.zeros((S,), jnp.int32)

    def body(i, st):
        dists, ids = st
        nxt = jnp.argmax(dists).astype(jnp.int32)
        ids = ids.at[i].set(nxt)
        d = jnp.sum((pos - pos[nxt]) ** 2, axis=-1)
        return (jnp.minimum(dists, d), ids)

    dists, idxs = jax.lax.fori_loop(1, S, body, (d0, idxs))
    return idxs


def _radius_j(pos, qpos, r, max_n=64):
    d2 = jnp.sum((qpos[:, :, None, :] - pos[:, None, :, :]) ** 2, axis=-1)
    d2m = jnp.where(d2 <= r * r, d2, jnp.inf)
    negd, idx = jax.lax.top_k(-d2m, max_n)
    valid = jnp.isfinite(negd)
    return idx, valid


def _sa_j(layers, x, pos, qpos, nidx, valid):
    pj = jax.vmap(lambda p, i: p[i])(pos, nidx)
    xj = jax.vmap(lambda xx, i: xx[i])(x, nidx)
    msg = jnp.concatenate([xj, pj - qpos[:, :, None, :]], axis=-1)
    mask = valid[..., None].astype(jnp.float32)
    h = _mlp_j(layers, msg, mask=mask, norm=True)
    h = jnp.where(valid[..., None], h, -jnp.inf)
    out = jnp.max(h, axis=2)
    out = jnp.where(jnp.isfinite(out), out, 0.0)
    return out


def _knn_j(x, pos, pos_skip, k):
    d2 = jnp.sum((pos_skip[:, :, None, :] - pos[:, None, :, :]) ** 2, axis=-1)
    kk = min(k, pos.shape[1])
    _, idx = jax.lax.top_k(-d2, kk)
    d2k = jnp.take_along_axis(d2, idx, axis=2)
    w = 1.0 / jnp.maximum(d2k, 1e-16)
    xk = jax.vmap(lambda xx, ii: xx[ii])(x, idx)
    return jnp.sum(xk * w[..., None], axis=2) / jnp.sum(w, axis=2, keepdims=True)



def _fps_stage(px, py, pz, S):
    Bn, N = px.shape
    il = jax.lax.broadcasted_iota(jnp.int32, (Bn, N), 1)
    ilS = jax.lax.broadcasted_iota(jnp.int32, (Bn, S), 1)
    c0x, c0y, c0z = px[:, :1], py[:, :1], pz[:, :1]
    d = (px - c0x) ** 2 + (py - c0y) ** 2 + (pz - c0z) ** 2
    first = (ilS == 0).astype(jnp.float32)
    qx = c0x * first
    qy = c0y * first
    qz = c0z * first

    def body(i, st):
        d, qx, qy, qz = st
        m = jnp.max(d, axis=1, keepdims=True)
        nxt = jnp.min(jnp.where(d == m, il, N), axis=1, keepdims=True)
        sel = (il == nxt).astype(jnp.float32)
        cx = jnp.sum(px * sel, axis=1, keepdims=True)
        cy = jnp.sum(py * sel, axis=1, keepdims=True)
        cz = jnp.sum(pz * sel, axis=1, keepdims=True)
        dn = (px - cx) ** 2 + (py - cy) ** 2 + (pz - cz) ** 2
        d = jnp.minimum(d, dn)
        hit = (ilS == i).astype(jnp.float32)
        return (d, qx + cx * hit, qy + cy * hit, qz + cz * hit)

    _, qx, qy, qz = jax.lax.fori_loop(1, S, body, (d, qx, qy, qz))
    return qx, qy, qz


def _geometry_body(px_ref, py_ref, pz_ref,
                   q1x_ref, q1y_ref, q1z_ref,
                   q2x_ref, q2y_ref, q2z_ref,
                   q3x_ref, q3y_ref, q3z_ref):
    q1 = _fps_stage(px_ref[...], py_ref[...], pz_ref[...], 512)
    q1x_ref[...], q1y_ref[...], q1z_ref[...] = q1
    q2 = _fps_stage(*q1, 128)
    q2x_ref[...], q2y_ref[...], q2z_ref[...] = q2
    q3 = _fps_stage(*q2, 32)
    q3x_ref[...], q3y_ref[...], q3z_ref[...] = q3


def _geometry_pallas(pb):
    px = pb[:, :, 0]
    py = pb[:, :, 1]
    pz = pb[:, :, 2]
    f = jnp.float32
    outs = pl.pallas_call(
        _geometry_body,
        out_shape=[jax.ShapeDtypeStruct((B, s), f)
                   for s in (512, 512, 512, 128, 128, 128, 32, 32, 32)],
    )(px, py, pz)
    q1 = jnp.stack(outs[0:3], axis=-1)
    q2 = jnp.stack(outs[3:6], axis=-1)
    q3 = jnp.stack(outs[6:9], axis=-1)
    return q1, q2, q3



def _select_body(q_ref, p_ref, nidx_ref, valid_ref, *, r2, S, N):
    q = q_ref[0]
    pT = p_ref[0]
    qx, qy, qz = q[:, 0:1], q[:, 1:2], q[:, 2:3]
    px, py, pz = pT[0:1, :], pT[1:2, :], pT[2:3, :]
    d2 = (qx - px) ** 2 + (qy - py) ** 2 + (qz - pz) ** 2
    il = jax.lax.broadcasted_iota(jnp.int32, (S, N), 1)
    ilK = jax.lax.broadcasted_iota(jnp.int32, (S, 64), 1)
    inf = jnp.float32(jnp.inf)

    def body(j, st):
        d2, nidx, valid = st
        m = jnp.min(d2, axis=1, keepdims=True)
        e = jnp.min(jnp.where(d2 == m, il, N), axis=1, keepdims=True)
        d2 = jnp.where(il == e, inf, d2)
        hit = (ilK == j)
        nidx = jnp.where(hit, e, nidx)
        valid = jnp.where(hit, (m <= r2).astype(jnp.float32), valid)
        return (d2, nidx, valid)

    nidx0 = jnp.zeros((S, 64), jnp.int32)
    valid0 = jnp.zeros((S, 64), jnp.float32)
    _, nidx, valid = jax.lax.fori_loop(0, 64, body, (d2, nidx0, valid0))
    nidx_ref[0] = nidx + pl.program_id(0) * N
    valid_ref[0] = valid


def _select_pallas(qpos, pos, r):
    Bn, S, _ = qpos.shape
    N = pos.shape[1]
    posT = jnp.swapaxes(pos, 1, 2)
    body = functools.partial(_select_body, r2=np.float32(r * r), S=S, N=N)
    nidx, valid = pl.pallas_call(
        body,
        grid=(Bn,),
        in_specs=[
            pl.BlockSpec((1, S, 3), lambda b: (b, 0, 0)),
            pl.BlockSpec((1, 3, N), lambda b: (b, 0, 0)),
        ],
        out_specs=[
            pl.BlockSpec((1, S, 64), lambda b: (b, 0, 0)),
            pl.BlockSpec((1, S, 64), lambda b: (b, 0, 0)),
        ],
        out_shape=[
            jax.ShapeDtypeStruct((Bn, S, 64), jnp.int32),
            jax.ShapeDtypeStruct((Bn, S, 64), jnp.float32),
        ],
    )(qpos, posT)
    return nidx.reshape(1, Bn * S * 64), valid



_SC_WINDOW = 128


def _sc_gather(table, idx):
    ni = idx.shape[1]
    cdim = table.shape[1]
    mesh = plsc.VectorSubcoreMesh(core_axis_name="c", subcore_axis_name="s")

    @functools.partial(
        pl.kernel,
        out_type=jax.ShapeDtypeStruct((ni, cdim), table.dtype),
        mesh=mesh,
    )
    def gather_kernel(tab_hbm, idx_hbm, out_hbm):
        def body(i_vmem, o_vmem):
            pltpu.sync_copy(tab_hbm.at[i_vmem.at[0]], o_vmem)

        pltpu.emit_pipeline(
            body,
            grid=(ni // _SC_WINDOW,),
            in_specs=[pl.BlockSpec((1, _SC_WINDOW), index_map=lambda i: (0, i))],
            out_specs=[pl.BlockSpec((_SC_WINDOW, cdim),
                                    index_map=lambda i: (i, 0))],
            core_axis_name=("c", "s"),
            dimension_semantics=(pltpu.PARALLEL,),
        )(idx_hbm, out_hbm)

    return gather_kernel(table, idx)



def _z1_of(g_ref, qp_ref, w1_ref, b1_ref, S, CP, C1):
    msg = g_ref[...][:, :CP].reshape(S, 64, CP) - qp_ref[0][:, None, :]
    z1 = (jnp.dot(msg.reshape(S * 64, CP), w1_ref[...],
                  preferred_element_type=jnp.float32) + b1_ref[...])
    return z1.reshape(S, 64, C1)


def _pass_a_body(g_ref, qp_ref, w1_ref, b1_ref, z1_ref, *, S, CP, C1):
    z1_ref[...] = _z1_of(g_ref, qp_ref, w1_ref, b1_ref, S, CP, C1).reshape(
        S * 64, C1)


def _norm(z, m_ref, var_ref, gamma_ref, beta_ref):
    zn = ((z - m_ref[...][0][None, None, :])
          / jnp.sqrt(var_ref[...] + 1e-5)[0][None, None, :])
    return jnp.maximum(zn * gamma_ref[...][0][None, None, :]
                       + beta_ref[...][0][None, None, :], 0.0)


def _pass_b_body(z1_ref, v_ref, m_ref, var_ref, gam_ref, bet_ref,
                 w2_ref, b2_ref, z2_ref, *, S, C1, C2):
    v = v_ref[0]
    z1 = z1_ref[...].reshape(S, 64, C1)
    z1n = _norm(z1, m_ref, var_ref, gam_ref, bet_ref) * v[:, :, None]
    z2_ref[...] = (jnp.dot(z1n.reshape(S * 64, C1), w2_ref[...],
                           preferred_element_type=jnp.float32)
                   + b2_ref[...])


def _pass_c_body(z2_ref, v_ref, m_ref, var_ref, gam_ref, bet_ref,
                 w3_ref, b3_ref, out_ref, *, S, C2, C3):
    v = v_ref[0]
    z2 = z2_ref[...].reshape(S, 64, C2)
    z2n = _norm(z2, m_ref, var_ref, gam_ref, bet_ref) * v[:, :, None]
    z3 = (jnp.dot(z2n.reshape(S * 64, C2), w3_ref[...],
                  preferred_element_type=jnp.float32)
          + b3_ref[...]).reshape(S, 64, C3)
    h = jnp.where(v[:, :, None] > 0.5, z3, -jnp.inf)
    mx = jnp.max(h, axis=1)
    out_ref[0] = jnp.where(jnp.isfinite(mx), mx, 0.0)


def _masked_stats(z, maskf):
    cnt = jnp.sum(maskf) + 1e-6
    m = jnp.sum(z * maskf, axis=(0, 1, 2)) / cnt
    v = jnp.sum(((z - m) ** 2) * maskf, axis=(0, 1, 2)) / cnt
    return m.reshape(1, -1), v.reshape(1, -1)


def _sa_fast(layers, x, pos, qpos, nidx_flat, valid):
    Bn, N, C = x.shape
    S = qpos.shape[1]
    CP = C + 3
    PW = ((CP + 127) // 128) * 128
    xp = jnp.concatenate([x, pos], axis=-1).reshape(Bn * N, CP)
    tbl = jnp.pad(xp, ((0, 0), (0, PW - CP)))
    g = _sc_gather(tbl, nidx_flat).reshape(Bn, S, 64, PW)
    xj = g[..., :C]
    pj = g[..., C:CP]
    msg = jnp.concatenate([xj, pj - qpos[:, :, None, :]], axis=-1)
    vb = valid > 0.5
    mask = vb[..., None].astype(jnp.float32)
    h = _mlp_j(layers, msg, mask=mask, norm=True)
    h = jnp.where(vb[..., None], h, -jnp.inf)
    out = jnp.max(h, axis=2)
    return jnp.where(jnp.isfinite(out), out, 0.0)


def _sa_pallas(layers, x, pos, qpos, nidx_flat, valid):
    Bn, N, C = x.shape
    S = qpos.shape[1]
    C1 = layers[0]['w'].shape[1]
    C2 = layers[1]['w'].shape[1]
    C3 = layers[2]['w'].shape[1]
    f = jnp.float32
    CP = C + 3
    PW = ((CP + 127) // 128) * 128
    xp = jnp.concatenate([x, pos], axis=-1).reshape(Bn * N, CP)
    tbl = jnp.pad(xp, ((0, 0), (0, PW - CP)))
    qpad = jnp.pad(qpos, ((0, 0), (0, 0), (C, 0)))
    w1 = layers[0]['w']
    b1 = layers[0]['b'].reshape(1, C1)

    g = _sc_gather(tbl, nidx_flat)

    ch = min(S, 128)
    nch = S // ch
    row_spec = lambda c: pl.BlockSpec(
        (ch * 64, c), lambda b, sc: (b * nch + sc, 0))
    q_spec = lambda c: pl.BlockSpec((1, ch, c), lambda b, sc: (b, sc, 0))
    full_spec = lambda r, c: pl.BlockSpec((r, c), lambda b, sc: (0, 0))
    z1 = pl.pallas_call(
        functools.partial(_pass_a_body, S=ch, CP=CP, C1=C1),
        grid=(Bn, nch),
        in_specs=[row_spec(PW), q_spec(CP),
                  full_spec(CP, C1), full_spec(1, C1)],
        out_specs=row_spec(C1),
        out_shape=jax.ShapeDtypeStruct((Bn * S * 64, C1), f),
    )(g, qpad, w1, b1)

    maskf = (valid > 0.5)[..., None].astype(f)
    m1, var1 = _masked_stats(z1.reshape(Bn, S, 64, C1), maskf)

    z2 = pl.pallas_call(
        functools.partial(_pass_b_body, S=ch, C1=C1, C2=C2),
        grid=(Bn, nch),
        in_specs=[row_spec(C1), q_spec(64),
                  full_spec(1, C1), full_spec(1, C1),
                  full_spec(1, C1), full_spec(1, C1),
                  full_spec(C1, C2), full_spec(1, C2)],
        out_specs=row_spec(C2),
        out_shape=jax.ShapeDtypeStruct((Bn * S * 64, C2), f),
    )(z1, valid, m1, var1,
      layers[0]['gamma'].reshape(1, C1), layers[0]['beta'].reshape(1, C1),
      layers[1]['w'], layers[1]['b'].reshape(1, C2))

    m2, var2 = _masked_stats(z2.reshape(Bn, S, 64, C2), maskf)

    out = pl.pallas_call(
        functools.partial(_pass_c_body, S=ch, C2=C2, C3=C3),
        grid=(Bn, nch),
        in_specs=[row_spec(C2), q_spec(64),
                  full_spec(1, C2), full_spec(1, C2),
                  full_spec(1, C2), full_spec(1, C2),
                  full_spec(C2, C3), full_spec(1, C3)],
        out_specs=q_spec(C3),
        out_shape=jax.ShapeDtypeStruct((Bn, S, C3), f),
    )(z2, valid, m2, var2,
      layers[1]['gamma'].reshape(1, C2), layers[1]['beta'].reshape(1, C2),
      layers[2]['w'], layers[2]['b'].reshape(1, C3))
    return out



def _head_body(y_ref, w1_ref, b1_ref, w2_ref, b2_ref, o_ref):
    h = jnp.maximum(
        jnp.dot(y_ref[...], w1_ref[...], preferred_element_type=jnp.float32)
        + b1_ref[...], 0.0)
    o_ref[...] = (
        jnp.dot(h, w2_ref[...], preferred_element_type=jnp.float32)
        + b2_ref[...])


def _head_pallas(y, head_params):
    n, _ = y.shape
    w1 = head_params[0]['w']
    b1 = head_params[0]['b'].reshape(1, -1)
    w2 = head_params[1]['w']
    b2 = head_params[1]['b'].reshape(1, -1)
    out = pl.pallas_call(
        _head_body,
        out_shape=jax.ShapeDtypeStruct((n, w2.shape[1]), jnp.float32),
    )(y, w1, b1, w2, b2)
    return out


def kernel(x, pos, batch, params):
    xb = x[:, :6].reshape(B, P, 6)
    pb = pos.reshape(B, P, 3)
    p1, p2, p3 = _geometry_pallas(pb)
    n1, v1 = _select_pallas(p1, pb, 0.2)
    n2, v2 = _select_pallas(p2, p1, 0.4)
    n3, v3 = _select_pallas(p3, p2, 0.8)
    n1l = n1.reshape(B, 512, 64) - (jnp.arange(B, dtype=jnp.int32) * P)[:, None, None]
    n2l = n2.reshape(B, 128, 64) - (jnp.arange(B, dtype=jnp.int32) * 512)[:, None, None]
    n3l = n3.reshape(B, 32, 64) - (jnp.arange(B, dtype=jnp.int32) * 128)[:, None, None]
    x1 = _sa_j(params['sa1'], xb, pb, p1, n1l, v1 > 0.5)
    x2 = _sa_j(params['sa2'], x1, p1, p2, n2l, v2 > 0.5)
    x3 = _sa_j(params['sa3'], x2, p2, p3, n3l, v3 > 0.5)
    h4 = _mlp_j(params['sa4'], jnp.concatenate([x3, p3], axis=-1), norm=True)
    x4 = jnp.max(h4, axis=1, keepdims=True)
    p4 = jnp.zeros((B, 1, 3), jnp.float32)
    y = _knn_j(x4, p4, p3, 1)
    y = _mlp_j(params['fp4'], jnp.concatenate([y, x3], axis=-1), norm=True)
    y = _knn_j(y, p3, p2, 3)
    y = _mlp_j(params['fp3'], jnp.concatenate([y, x2], axis=-1), norm=True)
    y = _knn_j(y, p2, p1, 3)
    y = _mlp_j(params['fp2'], jnp.concatenate([y, x1], axis=-1), norm=True)
    y = _knn_j(y, p1, pb, 3)
    y = _mlp_j(params['fp1'], jnp.concatenate([y, xb], axis=-1), norm=True)
    out = _head_pallas(y.reshape(B * P, -1), params['head'])
    return out.reshape(B * P, NUM_CLASSES)

# --- scband reference (transcript-rebuilt; emitter-appended) ---
"""Pipeline reference for scband-simple-point-net2-v2-68410239091218 (READ-ONLY COPY).

The authoritative reference and input builder live on the scoring server;
editing this copy changes nothing except your own understanding.
"""

import jax, jax.numpy as jnp
import numpy as np

B = 8
P = 2048
NUM_CLASSES = 13


def _mlp_params(key, dims):
    layers = []
    for i in range(len(dims) - 1):
        key, k1 = jax.random.split(key)
        w = jax.random.normal(k1, (dims[i], dims[i + 1]), jnp.float32) / np.sqrt(dims[i])
        layers.append({'w': w,
                       'b': jnp.zeros((dims[i + 1],), jnp.float32),
                       'gamma': jnp.ones((dims[i + 1],), jnp.float32),
                       'beta': jnp.zeros((dims[i + 1],), jnp.float32)})
    return layers


def _mlp(layers, x, mask=None, norm=True):
    # PyG-style MLP: Linear -> BatchNorm(batch stats) -> ReLU, plain last layer.
    n = len(layers)
    for i, p in enumerate(layers):
        x = jnp.matmul(x, p['w']) + p['b']
        if i < n - 1:
            if norm:
                red = tuple(range(x.ndim - 1))
                if mask is None:
                    m = jnp.mean(x, axis=red)
                    v = jnp.mean((x - m) ** 2, axis=red)
                else:
                    cnt = jnp.sum(mask) + 1e-6
                    m = jnp.sum(x * mask, axis=red) / cnt
                    v = jnp.sum(((x - m) ** 2) * mask, axis=red) / cnt
                x = (x - m) / jnp.sqrt(v + 1e-5) * p['gamma'] + p['beta']
            x = jax.nn.relu(x)
            if mask is not None:
                x = x * mask
    return x


def _fps(pos, S):
    # farthest point sampling on one cloud, start at index 0
    d0 = jnp.sum((pos - pos[0]) ** 2, axis=-1)
    idxs = jnp.zeros((S,), jnp.int32)

    def body(i, st):
        dists, ids = st
        nxt = jnp.argmax(dists).astype(jnp.int32)
        ids = ids.at[i].set(nxt)
        d = jnp.sum((pos - pos[nxt]) ** 2, axis=-1)
        return (jnp.minimum(dists, d), ids)

    dists, idxs = jax.lax.fori_loop(1, S, body, (d0, idxs))
    return idxs


def _radius_group(pos, qpos, r, max_n=64):
    # nearest up-to-max_n neighbors within radius r (dense per-cloud knn)
    d2 = jnp.sum((qpos[:, :, None, :] - pos[:, None, :, :]) ** 2, axis=-1)
    d2m = jnp.where(d2 <= r * r, d2, jnp.inf)
    negd, idx = jax.lax.top_k(jax.lax.stop_gradient(-d2m), max_n)
    valid = jnp.isfinite(negd)
    return idx, valid


def _sa(layers, x, pos, ratio, r):
    Pn = pos.shape[1]
    S = int(Pn * ratio)
    sidx = jax.vmap(lambda p: _fps(p, S))(jax.lax.stop_gradient(pos))
    qpos = jnp.take_along_axis(pos, sidx[:, :, None], axis=1)
    nidx, valid = _radius_group(pos, qpos, r, 64)
    pj = jax.vmap(lambda p, i: p[i])(pos, nidx)
    xj = jax.vmap(lambda xx, i: xx[i])(x, nidx)
    msg = jnp.concatenate([xj, pj - qpos[:, :, None, :]], axis=-1)
    mask = valid[..., None].astype(jnp.float32)
    h = _mlp(layers, msg, mask=mask, norm=True)
    h = jnp.where(valid[..., None], h, -jnp.inf)
    out = jnp.max(h, axis=2)
    out = jnp.where(jnp.isfinite(out), out, 0.0)
    return out, qpos


def _knn_interp(x, pos, pos_skip, k):
    d2 = jnp.sum((pos_skip[:, :, None, :] - pos[:, None, :, :]) ** 2, axis=-1)
    kk = min(k, pos.shape[1])
    _, idx = jax.lax.top_k(jax.lax.stop_gradient(-d2), kk)
    d2k = jnp.take_along_axis(d2, idx, axis=2)
    w = 1.0 / jnp.maximum(d2k, 1e-16)
    xk = jax.vmap(lambda xx, ii: xx[ii])(x, idx)
    return jnp.sum(xk * w[..., None], axis=2) / jnp.sum(w, axis=2, keepdims=True)


def setup_inputs(seed: int = 0):
    key = jax.random.key(seed)
    ks = jax.random.split(key, 12)
    x = jax.random.normal(ks[0], (B * P, 6), jnp.float32)
    pos = jax.random.uniform(ks[1], (B * P, 3), jnp.float32)
    batch = jnp.repeat(jnp.arange(B, dtype=jnp.int32), P)
    params = {
        'sa1': _mlp_params(ks[2], [9, 32, 32, 64]),
        'sa2': _mlp_params(ks[3], [67, 64, 64, 128]),
        'sa3': _mlp_params(ks[4], [131, 128, 128, 256]),
        'sa4': _mlp_params(ks[5], [259, 512, 1024, 2048]),
        'fp4': _mlp_params(ks[6], [2304, 1024, 512]),
        'fp3': _mlp_params(ks[7], [640, 256, 128]),
        'fp2': _mlp_params(ks[8], [192, 128, 128]),
        'fp1': _mlp_params(ks[9], [134, 64, 64, 64]),
        'head': _mlp_params(ks[10], [64, 32, NUM_CLASSES]),
    }
    return {'x': x, 'pos': pos, 'batch': batch, 'params': params}


def reference(x, pos, batch, params):
    xb = x[:, :6].reshape(B, P, 6)
    pb = pos.reshape(B, P, 3)
    x1, p1 = _sa(params['sa1'], xb, pb, 0.25, 0.2)
    x2, p2 = _sa(params['sa2'], x1, p1, 0.25, 0.4)
    x3, p3 = _sa(params['sa3'], x2, p2, 0.25, 0.8)
    h4 = _mlp(params['sa4'], jnp.concatenate([x3, p3], axis=-1), norm=True)
    x4 = jnp.max(h4, axis=1, keepdims=True)
    p4 = jnp.zeros((B, 1, 3), jnp.float32)
    y = _knn_interp(x4, p4, p3, 1)
    y = _mlp(params['fp4'], jnp.concatenate([y, x3], axis=-1), norm=True)
    y = _knn_interp(y, p3, p2, 3)
    y = _mlp(params['fp3'], jnp.concatenate([y, x2], axis=-1), norm=True)
    y = _knn_interp(y, p2, p1, 3)
    y = _mlp(params['fp2'], jnp.concatenate([y, x1], axis=-1), norm=True)
    y = _knn_interp(y, p1, pb, 3)
    y = _mlp(params['fp1'], jnp.concatenate([y, xb], axis=-1), norm=True)
    out = _mlp(params['head'], y, norm=False)
    return out.reshape(B * P, NUM_CLASSES)

if __name__ == "__main__":
    import jax
    _d = setup_inputs()
    print(jax.jit(kernel)(*tuple(_d.values())))

</pallas_src>

<mosaic_0001>
module attributes {stable_mosaic.version = 14 : i64} {
  func.func @_geometry_body(%arg0: memref<8x2048xf32, #tpu.memory_space<vmem>>, %arg1: memref<8x2048xf32, #tpu.memory_space<vmem>>, %arg2: memref<8x2048xf32, #tpu.memory_space<vmem>>, %arg3: memref<8x512xf32, #tpu.memory_space<vmem>>, %arg4: memref<8x512xf32, #tpu.memory_space<vmem>>, %arg5: memref<8x512xf32, #tpu.memory_space<vmem>>, %arg6: memref<8x128xf32, #tpu.memory_space<vmem>>, %arg7: memref<8x128xf32, #tpu.memory_space<vmem>>, %arg8: memref<8x128xf32, #tpu.memory_space<vmem>>, %arg9: memref<8x32xf32, #tpu.memory_space<vmem>>, %arg10: memref<8x32xf32, #tpu.memory_space<vmem>>, %arg11: memref<8x32xf32, #tpu.memory_space<vmem>>) attributes {dimension_semantics = [], scalar_prefetch = 0 : i64, scratch_operands = 0 : i64, tpu.core_type = #tpu.core_type<tc>} {
    %get3A = arith.constant 0 : index
    %get3A_0 = arith.constant 0 : index
    %get3A_1 = vector.load %arg0[%get3A, %get3A_0] : memref<8x2048xf32, #tpu.memory_space<vmem>>, vector<8x2048xf32>
    %get3A_2 = arith.constant 0 : index
    %get3A_3 = arith.constant 0 : index
    %get3A_4 = vector.load %arg1[%get3A_2, %get3A_3] : memref<8x2048xf32, #tpu.memory_space<vmem>>, vector<8x2048xf32>
    %get3A_5 = arith.constant 0 : index
    %get3A_6 = arith.constant 0 : index
    %get3A_7 = vector.load %arg2[%get3A_5, %get3A_6] : memref<8x2048xf32, #tpu.memory_space<vmem>>, vector<8x2048xf32>
    %iota3A = tpu.iota {dimensions = array<i32: 1>} : vector<8x2048xi32>
    %iota3A_8 = tpu.iota {dimensions = array<i32: 1>} : vector<8x512xi32>
    %slice3A = vector.extract_strided_slice %get3A_1 {offsets = [0, 0], sizes = [8, 1], strides = [1, 1]} : vector<8x2048xf32> to vector<8x1xf32>
    %slice3A_9 = vector.extract_strided_slice %get3A_4 {offsets = [0, 0], sizes = [8, 1], strides = [1, 1]} : vector<8x2048xf32> to vector<8x1xf32>
    %slice3A_10 = vector.extract_strided_slice %get3A_7 {offsets = [0, 0], sizes = [8, 1], strides = [1, 1]} : vector<8x2048xf32> to vector<8x1xf32>
    %sub3A = vector.broadcast %slice3A : vector<8x1xf32> to vector<8x2048xf32>
    %sub3A_11 = arith.subf %get3A_1, %sub3A : vector<8x2048xf32>
    %integer_pow3A = arith.mulf %sub3A_11, %sub3A_11 : vector<8x2048xf32>
    %sub3A_12 = vector.broadcast %slice3A_9 : vector<8x1xf32> to vector<8x2048xf32>
    %sub3A_13 = arith.subf %get3A_4, %sub3A_12 : vector<8x2048xf32>
    %integer_pow3A_14 = arith.mulf %sub3A_13, %sub3A_13 : vector<8x2048xf32>
    %add3A = arith.addf %integer_pow3A, %integer_pow3A_14 : vector<8x2048xf32>
    %sub3A_15 = vector.broadcast %slice3A_10 : vector<8x1xf32> to vector<8x2048xf32>
    %sub3A_16 = arith.subf %get3A_7, %sub3A_15 : vector<8x2048xf32>
    %integer_pow3A_17 = arith.mulf %sub3A_16, %sub3A_16 : vector<8x2048xf32>
    %add3A_18 = arith.addf %add3A, %integer_pow3A_17 : vector<8x2048xf32>
    %eq3A = arith.constant 0 : i32
    %eq3A_19 = vector.broadcast %eq3A : i32 to vector<8x512xi32>
    %eq3A_20 = arith.cmpi eq, %iota3A_8, %eq3A_19 : vector<8x512xi32>
    %convert_element_type3A = arith.extui %eq3A_20 : vector<8x512xi1> to vector<8x512xi32>
    %convert_element_type3A_21 = arith.sitofp %convert_element_type3A : vector<8x512xi32> to vector<8x512xf32>
    %mul3A = vector.broadcast %slice3A : vector<8x1xf32> to vector<8x512xf32>
    %mul3A_22 = arith.mulf %mul3A, %convert_element_type3A_21 : vector<8x512xf32>
    %mul3A_23 = vector.broadcast %slice3A_9 : vector<8x1xf32> to vector<8x512xf32>
    %mul3A_24 = arith.mulf %mul3A_23, %convert_element_type3A_21 : vector<8x512xf32>
    %mul3A_25 = vector.broadcast %slice3A_10 : vector<8x1xf32> to vector<8x512xf32>
    %mul3A_26 = arith.mulf %mul3A_25, %convert_element_type3A_21 : vector<8x512xf32>
    %scan3A = arith.constant 1 : i32
    %scan3A_27 = arith.constant 511 : i32
    %scan3A_28 = arith.addi %scan3A, %scan3A_27 : i32
    %scan3A_29 = arith.constant 1 : i32
    %scan3A_30:4 = scf.for %scan3A_124 = %scan3A to %scan3A_28 step %scan3A_29 iter_args(%scan3A_125 = %add3A_18, %scan3A_126 = %mul3A_22, %scan3A_127 = %mul3A_24, %scan3A_128 = %mul3A_26) -> (vector<8x2048xf32>, vector<8x512xf32>, vector<8x512xf32>, vector<8x512xf32>)  : i32 {
      %reduce_max3A = arith.constant dense<0xFF800000> : vector<8xf32>
      %reduce_max3A_129 = vector.multi_reduction <maximumf>, %scan3A_125, %reduce_max3A [1] : vector<8x2048xf32> to vector<8xf32>
      %broadcast_in_dim3A = vector.shape_cast %reduce_max3A_129 : vector<8xf32> to vector<8x1xf32>
      %eq3A_130 = vector.broadcast %broadcast_in_dim3A : vector<8x1xf32> to vector<8x2048xf32>
      %eq3A_131 = arith.cmpf oeq, %scan3A_125, %eq3A_130 : vector<8x2048xf32>
      %jit3A = arith.constant 2048 : i32
      %broadcast_in_dim3A_132 = vector.broadcast %jit3A : i32 to vector<8x2048xi32>
      %select_n3A = arith.select %eq3A_131, %iota3A, %broadcast_in_dim3A_132 : vector<8x2048xi1>, vector<8x2048xi32>
      %reduce_min3A = arith.constant dense<2147483647> : vector<8xi32>
      %reduce_min3A_133 = vector.multi_reduction <minsi>, %select_n3A, %reduce_min3A [1] : vector<8x2048xi32> to vector<8xi32>
      %broadcast_in_dim3A_134 = vector.shape_cast %reduce_min3A_133 : vector<8xi32> to vector<8x1xi32>
      %eq3A_135 = vector.broadcast %broadcast_in_dim3A_134 : vector<8x1xi32> to vector<8x2048xi32>
      %eq3A_136 = arith.cmpi eq, %iota3A, %eq3A_135 : vector<8x2048xi32>
      %convert_element_type3A_137 = arith.extui %eq3A_136 : vector<8x2048xi1> to vector<8x2048xi32>
      %convert_element_type3A_138 = arith.sitofp %convert_element_type3A_137 : vector<8x2048xi32> to vector<8x2048xf32>
      %mul3A_139 = arith.mulf %get3A_1, %convert_element_type3A_138 : vector<8x2048xf32>
      %reduce_sum3A = arith.constant dense<0.000000e+00> : vector<8xf32>
      %reduce_sum3A_140 = vector.multi_reduction <add>, %mul3A_139, %reduce_sum3A [1] : vector<8x2048xf32> to vector<8xf32>
      %broadcast_in_dim3A_141 = vector.shape_cast %reduce_sum3A_140 : vector<8xf32> to vector<8x1xf32>
      %mul3A_142 = arith.mulf %get3A_4, %convert_element_type3A_138 : vector<8x2048xf32>
      %reduce_sum3A_143 = arith.constant dense<0.000000e+00> : vector<8xf32>
      %reduce_sum3A_144 = vector.multi_reduction <add>, %mul3A_142, %reduce_sum3A_143 [1] : vector<8x2048xf32> to vector<8xf32>
      %broadcast_in_dim3A_145 = vector.shape_cast %reduce_sum3A_144 : vector<8xf32> to vector<8x1xf32>
      %mul3A_146 = arith.mulf %get3A_7, %convert_element_type3A_138 : vector<8x2048xf32>
      %reduce_sum3A_147 = arith.constant dense<0.000000e+00> : vector<8xf32>
      %reduce_sum3A_148 = vector.multi_reduction <add>, %mul3A_146, %reduce_sum3A_147 [1] : vector<8x2048xf32> to vector<8xf32>
      %broadcast_in_dim3A_149 = vector.shape_cast %reduce_sum3A_148 : vector<8xf32> to vector<8x1xf32>
      %sub3A_150 = vector.broadcast %broadcast_in_dim3A_141 : vector<8x1xf32> to vector<8x2048xf32>
      %sub3A_151 = arith.subf %get3A_1, %sub3A_150 : vector<8x2048xf32>
      %integer_pow3A_152 = arith.mulf %sub3A_151, %sub3A_151 : vector<8x2048xf32>
      %sub3A_153 = vector.broadcast %broadcast_in_dim3A_145 : vector<8x1xf32> to vector<8x2048xf32>
      %sub3A_154 = arith.subf %get3A_4, %sub3A_153 : vector<8x2048xf32>
      %integer_pow3A_155 = arith.mulf %sub3A_154, %sub3A_154 : vector<8x2048xf32>
      %add3A_156 = arith.addf %integer_pow3A_152, %integer_pow3A_155 : vector<8x2048xf32>
      %sub3A_157 = vector.broadcast %broadcast_in_dim3A_149 : vector<8x1xf32> to vector<8x2048xf32>
      %sub3A_158 = arith.subf %get3A_7, %sub3A_157 : vector<8x2048xf32>
      %integer_pow3A_159 = arith.mulf %sub3A_158, %sub3A_158 : vector<8x2048xf32>
      %add3A_160 = arith.addf %add3A_156, %integer_pow3A_159 : vector<8x2048xf32>
      %min3A = arith.minimumf %scan3A_125, %add3A_160 : vector<8x2048xf32>
      %eq3A_161 = vector.broadcast %scan3A_124 : i32 to vector<8x512xi32>
      %eq3A_162 = arith.cmpi eq, %iota3A_8, %eq3A_161 : vector<8x512xi32>
      %convert_element_type3A_163 = arith.extui %eq3A_162 : vector<8x512xi1> to vector<8x512xi32>
      %convert_element_type3A_164 = arith.sitofp %convert_element_type3A_163 : vector<8x512xi32> to vector<8x512xf32>
      %mul3A_165 = vector.broadcast %broadcast_in_dim3A_141 : vector<8x1xf32> to vector<8x512xf32>
      %mul3A_166 = arith.mulf %mul3A_165, %convert_element_type3A_164 : vector<8x512xf32>
      %add3A_167 = arith.addf %scan3A_126, %mul3A_166 : vector<8x512xf32>
      %mul3A_168 = vector.broadcast %broadcast_in_dim3A_145 : vector<8x1xf32> to vector<8x512xf32>
      %mul3A_169 = arith.mulf %mul3A_168, %convert_element_type3A_164 : vector<8x512xf32>
      %add3A_170 = arith.addf %scan3A_127, %mul3A_169 : vector<8x512xf32>
      %mul3A_171 = vector.broadcast %broadcast_in_dim3A_149 : vector<8x1xf32> to vector<8x512xf32>
      %mul3A_172 = arith.mulf %mul3A_171, %convert_element_type3A_164 : vector<8x512xf32>
      %add3A_173 = arith.addf %scan3A_128, %mul3A_172 : vector<8x512xf32>
      scf.yield %min3A, %add3A_167, %add3A_170, %add3A_173 : vector<8x2048xf32>, vector<8x512xf32>, vector<8x512xf32>, vector<8x512xf32>
    }
    %scan3A_31 = arith.constant 511 : i32
    %swap3A = arith.constant 0 : index
    %swap3A_32 = arith.constant 0 : index
    %swap3A_33 = vector.load %arg3[%swap3A, %swap3A_32] : memref<8x512xf32, #tpu.memory_space<vmem>>, vector<8x512xf32>
    tpu.vector_store %arg3[%swap3A, %swap3A_32], %scan3A_30#1 {strides = array<i32>} : memref<8x512xf32, #tpu.memory_space<vmem>>, vector<8x512xf32>,
    %swap3A_34 = arith.constant 0 : index
    %swap3A_35 = arith.constant 0 : index
    %swap3A_36 = vector.load %arg4[%swap3A_34, %swap3A_35] : memref<8x512xf32, #tpu.memory_space<vmem>>, vector<8x512xf32>
    tpu.vector_store %arg4[%swap3A_34, %swap3A_35], %scan3A_30#2 {strides = array<i32>} : memref<8x512xf32, #tpu.memory_space<vmem>>, vector<8x512xf32>,
    %swap3A_37 = arith.constant 0 : index
    %swap3A_38 = arith.constant 0 : index
    %swap3A_39 = vector.load %arg5[%swap3A_37, %swap3A_38] : memref<8x512xf32, #tpu.memory_space<vmem>>, vector<8x512xf32>
    tpu.vector_store %arg5[%swap3A_37, %swap3A_38], %scan3A_30#3 {strides = array<i32>} : memref<8x512xf32, #tpu.memory_space<vmem>>, vector<8x512xf32>,
    %iota3A_40 = tpu.iota {dimensions = array<i32: 1>} : vector<8x512xi32>
    %iota3A_41 = tpu.iota {dimensions = array<i32: 1>} : vector<8x128xi32>
    %slice3A_42 = vector.extract_strided_slice %scan3A_30#1 {offsets = [0, 0], sizes = [8, 1], strides = [1, 1]} : vector<8x512xf32> to vector<8x1xf32>
    %slice3A_43 = vector.extract_strided_slice %scan3A_30#2 {offsets = [0, 0], sizes = [8, 1], strides = [1, 1]} : vector<8x512xf32> to vector<8x1xf32>
    %slice3A_44 = vector.extract_strided_slice %scan3A_30#3 {offsets = [0, 0], sizes = [8, 1], strides = [1, 1]} : vector<8x512xf32> to vector<8x1xf32>
    %sub3A_45 = vector.broadcast %slice3A_42 : vector<8x1xf32> to vector<8x512xf32>
    %sub3A_46 = arith.subf %scan3A_30#1, %sub3A_45 : vector<8x512xf32>
    %integer_pow3A_47 = arith.mulf %sub3A_46, %sub3A_46 : vector<8x512xf32>
    %sub3A_48 = vector.broadcast %slice3A_43 : vector<8x1xf32> to vector<8x512xf32>
    %sub3A_49 = arith.subf %scan3A_30#2, %sub3A_48 : vector<8x512xf32>
    %integer_pow3A_50 = arith.mulf %sub3A_49, %sub3A_49 : vector<8x512xf32>
    %add3A_51 = arith.addf %integer_pow3A_47, %integer_pow3A_50 : vector<8x512xf32>
    %sub3A_52 = vector.broadcast %slice3A_44 : vector<8x1xf32> to vector<8x512xf32>
    %sub3A_53 = arith.subf %scan3A_30#3, %sub3A_52 : vector<8x512xf32>
    %integer_pow3A_54 = arith.mulf %sub3A_53, %sub3A_53 : vector<8x512xf32>
    %add3A_55 = arith.addf %add3A_51, %integer_pow3A_54 : vector<8x512xf32>
    %eq3A_56 = arith.constant 0 : i32
    %eq3A_57 = vector.broadcast %eq3A_56 : i32 to vector<8x128xi32>
    %eq3A_58 = arith.cmpi eq, %iota3A_41, %eq3A_57 : vector<8x128xi32>
    %convert_element_type3A_59 = arith.extui %eq3A_58 : vector<8x128xi1> to vector<8x128xi32>
    %convert_element_type3A_60 = arith.sitofp %convert_element_type3A_59 : vector<8x128xi32> to vector<8x128xf32>
    %mul3A_61 = vector.broadcast %slice3A_42 : vector<8x1xf32> to vector<8x128xf32>
    %mul3A_62 = arith.mulf %mul3A_61, %convert_element_type3A_60 : vector<8x128xf32>
    %mul3A_63 = vector.broadcast %slice3A_43 : vector<8x1xf32> to vector<8x128xf32>
    %mul3A_64 = arith.mulf %mul3A_63, %convert_element_type3A_60 : vector<8x128xf32>
    %mul3A_65 = vector.broadcast %slice3A_44 : vector<8x1xf32> to vector<8x128xf32>
    %mul3A_66 = arith.mulf %mul3A_65, %convert_element_type3A_60 : vector<8x128xf32>
    %scan3A_67 = arith.constant 1 : i32
    %scan3A_68 = arith.constant 127 : i32
    %scan3A_69 = arith.addi %scan3A_67, %scan3A_68 : i32
    %scan3A_70 = arith.constant 1 : i32
    %scan3A_71:4 = scf.for %scan3A_124 = %scan3A_67 to %scan3A_69 step %scan3A_70 iter_args(%scan3A_125 = %add3A_55, %scan3A_126 = %mul3A_62, %scan3A_127 = %mul3A_64, %scan3A_128 = %mul3A_66) -> (vector<8x512xf32>, vector<8x128xf32>, vector<8x128xf32>, vector<8x128xf32>)  : i32 {
      %reduce_max3A = arith.constant dense<0xFF800000> : vector<8xf32>
      %reduce_max3A_129 = vector.multi_reduction <maximumf>, %scan3A_125, %reduce_max3A [1] : vector<8x512xf32> to vector<8xf32>
      %broadcast_in_dim3A = vector.shape_cast %reduce_max3A_129 : vector<8xf32> to vector<8x1xf32>
      %eq3A_130 = vector.broadcast %broadcast_in_dim3A : vector<8x1xf32> to vector<8x512xf32>
      %eq3A_131 = arith.cmpf oeq, %scan3A_125, %eq3A_130 : vector<8x512xf32>
      %jit3A = arith.constant 512 : i32
      %broadcast_in_dim3A_132 = vector.broadcast %jit3A : i32 to vector<8x512xi32>
      %select_n3A = arith.select %eq3A_131, %iota3A_40, %broadcast_in_dim3A_132 : vector<8x512xi1>, vector<8x512xi32>
      %reduce_min3A = arith.constant dense<2147483647> : vector<8xi32>
      %reduce_min3A_133 = vector.multi_reduction <minsi>, %select_n3A, %reduce_min3A [1] : vector<8x512xi32> to vector<8xi32>
      %broadcast_in_dim3A_134 = vector.shape_cast %reduce_min3A_133 : vector<8xi32> to vector<8x1xi32>
      %eq3A_135 = vector.broadcast %broadcast_in_dim3A_134 : vector<8x1xi32> to vector<8x512xi32>
      %eq3A_136 = arith.cmpi eq, %iota3A_40, %eq3A_135 : vector<8x512xi32>
      %convert_element_type3A_137 = arith.extui %eq3A_136 : vector<8x512xi1> to vector<8x512xi32>
      %convert_element_type3A_138 = arith.sitofp %convert_element_type3A_137 : vector<8x512xi32> to vector<8x512xf32>
      %mul3A_139 = arith.mulf %scan3A_30#1, %convert_element_type3A_138 : vector<8x512xf32>
      %reduce_sum3A = arith.constant dense<0.000000e+00> : vector<8xf32>
      %reduce_sum3A_140 = vector.multi_reduction <add>, %mul3A_139, %reduce_sum3A [1] : vector<8x512xf32> to vector<8xf32>
      %broadcast_in_dim3A_141 = vector.shape_cast %reduce_sum3A_140 : vector<8xf32> to vector<8x1xf32>
      %mul3A_142 = arith.mulf %scan3A_30#2, %convert_element_type3A_138 : vector<8x512xf32>
      %reduce_sum3A_143 = arith.constant dense<0.000000e+00> : vector<8xf32>
      %reduce_sum3A_144 = vector.multi_reduction <add>, %mul3A_142, %reduce_sum3A_143 [1] : vector<8x512xf32> to vector<8xf32>
      %broadcast_in_dim3A_145 = vector.shape_cast %reduce_sum3A_144 : vector<8xf32> to vector<8x1xf32>
      %mul3A_146 = arith.mulf %scan3A_30#3, %convert_element_type3A_138 : vector<8x512xf32>
      %reduce_sum3A_147 = arith.constant dense<0.000000e+00> : vector<8xf32>
      %reduce_sum3A_148 = vector.multi_reduction <add>, %mul3A_146, %reduce_sum3A_147 [1] : vector<8x512xf32> to vector<8xf32>
      %broadcast_in_dim3A_149 = vector.shape_cast %reduce_sum3A_148 : vector<8xf32> to vector<8x1xf32>
      %sub3A_150 = vector.broadcast %broadcast_in_dim3A_141 : vector<8x1xf32> to vector<8x512xf32>
      %sub3A_151 = arith.subf %scan3A_30#1, %sub3A_150 : vector<8x512xf32>
      %integer_pow3A_152 = arith.mulf %sub3A_151, %sub3A_151 : vector<8x512xf32>
      %sub3A_153 = vector.broadcast %broadcast_in_dim3A_145 : vector<8x1xf32> to vector<8x512xf32>
      %sub3A_154 = arith.subf %scan3A_30#2, %sub3A_153 : vector<8x512xf32>
      %integer_pow3A_155 = arith.mulf %sub3A_154, %sub3A_154 : vector<8x512xf32>
      %add3A_156 = arith.addf %integer_pow3A_152, %integer_pow3A_155 : vector<8x512xf32>
      %sub3A_157 = vector.broadcast %broadcast_in_dim3A_149 : vector<8x1xf32> to vector<8x512xf32>
      %sub3A_158 = arith.subf %scan3A_30#3, %sub3A_157 : vector<8x512xf32>
      %integer_pow3A_159 = arith.mulf %sub3A_158, %sub3A_158 : vector<8x512xf32>
      %add3A_160 = arith.addf %add3A_156, %integer_pow3A_159 : vector<8x512xf32>
      %min3A = arith.minimumf %scan3A_125, %add3A_160 : vector<8x512xf32>
      %eq3A_161 = vector.broadcast %scan3A_124 : i32 to vector<8x128xi32>
      %eq3A_162 = arith.cmpi eq, %iota3A_41, %eq3A_161 : vector<8x128xi32>
      %convert_element_type3A_163 = arith.extui %eq3A_162 : vector<8x128xi1> to vector<8x128xi32>
      %convert_element_type3A_164 = arith.sitofp %convert_element_type3A_163 : vector<8x128xi32> to vector<8x128xf32>
      %mul3A_165 = vector.broadcast %broadcast_in_dim3A_141 : vector<8x1xf32> to vector<8x128xf32>
      %mul3A_166 = arith.mulf %mul3A_165, %convert_element_type3A_164 : vector<8x128xf32>
      %add3A_167 = arith.addf %scan3A_126, %mul3A_166 : vector<8x128xf32>
      %mul3A_168 = vector.broadcast %broadcast_in_dim3A_145 : vector<8x1xf32> to vector<8x128xf32>
      %mul3A_169 = arith.mulf %mul3A_168, %convert_element_type3A_164 : vector<8x128xf32>
      %add3A_170 = arith.addf %scan3A_127, %mul3A_169 : vector<8x128xf32>
      %mul3A_171 = vector.broadcast %broadcast_in_dim3A_149 : vector<8x1xf32> to vector<8x128xf32>
      %mul3A_172 = arith.mulf %mul3A_171, %convert_element_type3A_164 : vector<8x128xf32>
      %add3A_173 = arith.addf %scan3A_128, %mul3A_172 : vector<8x128xf32>
      scf.yield %min3A, %add3A_167, %add3A_170, %add3A_173 : vector<8x512xf32>, vector<8x128xf32>, vector<8x128xf32>, vector<8x128xf32>
    }
    %scan3A_72 = arith.constant 127 : i32
    %swap3A_73 = arith.constant 0 : index
    %swap3A_74 = arith.constant 0 : index
    %swap3A_75 = vector.load %arg6[%swap3A_73, %swap3A_74] : memref<8x128xf32, #tpu.memory_space<vmem>>, vector<8x128xf32>
    tpu.vector_store %arg6[%swap3A_73, %swap3A_74], %scan3A_71#1 {strides = array<i32>} : memref<8x128xf32, #tpu.memory_space<vmem>>, vector<8x128xf32>,
    %swap3A_76 = arith.constant 0 : index
    %swap3A_77 = arith.constant 0 : index
    %swap3A_78 = vector.load %arg7[%swap3A_76, %swap3A_77] : memref<8x128xf32, #tpu.memory_space<vmem>>, vector<8x128xf32>
    tpu.vector_store %arg7[%swap3A_76, %swap3A_77], %scan3A_71#2 {strides = array<i32>} : memref<8x128xf32, #tpu.memory_space<vmem>>, vector<8x128xf32>,
    %swap3A_79 = arith.constant 0 : index
    %swap3A_80 = arith.constant 0 : index
    %swap3A_81 = vector.load %arg8[%swap3A_79, %swap3A_80] : memref<8x128xf32, #tpu.memory_space<vmem>>, vector<8x128xf32>
    tpu.vector_store %arg8[%swap3A_79, %swap3A_80], %scan3A_71#3 {strides = array<i32>} : memref<8x128xf32, #tpu.memory_space<vmem>>, vector<8x128xf32>,
    %iota3A_82 = tpu.iota {dimensions = array<i32: 1>} : vector<8x128xi32>
    %iota3A_83 = tpu.iota {dimensions = array<i32: 1>} : vector<8x32xi32>
    %slice3A_84 = vector.extract_strided_slice %scan3A_71#1 {offsets = [0, 0], sizes = [8, 1], strides = [1, 1]} : vector<8x128xf32> to vector<8x1xf32>
    %slice3A_85 = vector.extract_strided_slice %scan3A_71#2 {offsets = [0, 0], sizes = [8, 1], strides = [1, 1]} : vector<8x128xf32> to vector<8x1xf32>
    %slice3A_86 = vector.extract_strided_slice %scan3A_71#3 {offsets = [0, 0], sizes = [8, 1], strides = [1, 1]} : vector<8x128xf32> to vector<8x1xf32>
    %sub3A_87 = vector.broadcast %slice3A_84 : vector<8x1xf32> to vector<8x128xf32>
    %sub3A_88 = arith.subf %scan3A_71#1, %sub3A_87 : vector<8x128xf32>
    %integer_pow3A_89 = arith.mulf %sub3A_88, %sub3A_88 : vector<8x128xf32>
    %sub3A_90 = vector.broadcast %slice3A_85 : vector<8x1xf32> to vector<8x128xf32>
    %sub3A_91 = arith.subf %scan3A_71#2, %sub3A_90 : vector<8x128xf32>
    %integer_pow3A_92 = arith.mulf %sub3A_91, %sub3A_91 : vector<8x128xf32>
    %add3A_93 = arith.addf %integer_pow3A_89, %integer_pow3A_92 : vector<8x128xf32>
    %sub3A_94 = vector.broadcast %slice3A_86 : vector<8x1xf32> to vector<8x128xf32>
    %sub3A_95 = arith.subf %scan3A_71#3, %sub3A_94 : vector<8x128xf32>
    %integer_pow3A_96 = arith.mulf %sub3A_95, %sub3A_95 : vector<8x128xf32>
    %add3A_97 = arith.addf %add3A_93, %integer_pow3A_96 : vector<8x128xf32>
    %eq3A_98 = arith.constant 0 : i32
    %eq3A_99 = vector.broadcast %eq3A_98 : i32 to vector<8x32xi32>
    %eq3A_100 = arith.cmpi eq, %iota3A_83, %eq3A_99 : vector<8x32xi32>
    %convert_element_type3A_101 = arith.extui %eq3A_100 : vector<8x32xi1> to vector<8x32xi32>
    %convert_element_type3A_102 = arith.sitofp %convert_element_type3A_101 : vector<8x32xi32> to vector<8x32xf32>
    %mul3A_103 = vector.broadcast %slice3A_84 : vector<8x1xf32> to vector<8x32xf32>
    %mul3A_104 = arith.mulf %mul3A_103, %convert_element_type3A_102 : vector<8x32xf32>
    %mul3A_105 = vector.broadcast %slice3A_85 : vector<8x1xf32> to vector<8x32xf32>
    %mul3A_106 = arith.mulf %mul3A_105, %convert_element_type3A_102 : vector<8x32xf32>
    %mul3A_107 = vector.broadcast %slice3A_86 : vector<8x1xf32> to vector<8x32xf32>
    %mul3A_108 = arith.mulf %mul3A_107, %convert_element_type3A_102 : vector<8x32xf32>
    %scan3A_109 = arith.constant 1 : i32
    %scan3A_110 = arith.constant 31 : i32
    %scan3A_111 = arith.addi %scan3A_109, %scan3A_110 : i32
    %scan3A_112 = arith.constant 1 : i32
    %scan3A_113:4 = scf.for %scan3A_124 = %scan3A_109 to %scan3A_111 step %scan3A_112 iter_args(%scan3A_125 = %add3A_97, %scan3A_126 = %mul3A_104, %scan3A_127 = %mul3A_106, %scan3A_128 = %mul3A_108) -> (vector<8x128xf32>, vector<8x32xf32>, vector<8x32xf32>, vector<8x32xf32>)  : i32 {
      %reduce_max3A = arith.constant dense<0xFF800000> : vector<8xf32>
      %reduce_max3A_129 = vector.multi_reduction <maximumf>, %scan3A_125, %reduce_max3A [1] : vector<8x128xf32> to vector<8xf32>
      %broadcast_in_dim3A = vector.shape_cast %reduce_max3A_129 : vector<8xf32> to vector<8x1xf32>
      %eq3A_130 = vector.broadcast %broadcast_in_dim3A : vector<8x1xf32> to vector<8x128xf32>
      %eq3A_131 = arith.cmpf oeq, %scan3A_125, %eq3A_130 : vector<8x128xf32>
      %jit3A = arith.constant 128 : i32
      %broadcast_in_dim3A_132 = vector.broadcast %jit3A : i32 to vector<8x128xi32>
      %select_n3A = arith.select %eq3A_131, %iota3A_82, %broadcast_in_dim3A_132 : vector<8x128xi1>, vector<8x128xi32>
      %reduce_min3A = arith.constant dense<2147483647> : vector<8xi32>
      %reduce_min3A_133 = vector.multi_reduction <minsi>, %select_n3A, %reduce_min3A [1] : vector<8x128xi32> to vector<8xi32>
      %broadcast_in_dim3A_134 = vector.shape_cast %reduce_min3A_133 : vector<8xi32> to vector<8x1xi32>
      %eq3A_135 = vector.broadcast %broadcast_in_dim3A_134 : vector<8x1xi32> to vector<8x128xi32>
      %eq3A_136 = arith.cmpi eq, %iota3A_82, %eq3A_135 : vector<8x128xi32>
      %convert_element_type3A_137 = arith.extui %eq3A_136 : vector<8x128xi1> to vector<8x128xi32>
      %convert_element_type3A_138 = arith.sitofp %convert_element_type3A_137 : vector<8x128xi32> to vector<8x128xf32>
      %mul3A_139 = arith.mulf %scan3A_71#1, %convert_element_type3A_138 : vector<8x128xf32>
      %reduce_sum3A = arith.constant dense<0.000000e+00> : vector<8xf32>
      %reduce_sum3A_140 = vector.multi_reduction <add>, %mul3A_139, %reduce_sum3A [1] : vector<8x128xf32> to vector<8xf32>
      %broadcast_in_dim3A_141 = vector.shape_cast %reduce_sum3A_140 : vector<8xf32> to vector<8x1xf32>
      %mul3A_142 = arith.mulf %scan3A_71#2, %convert_element_type3A_138 : vector<8x128xf32>
      %reduce_sum3A_143 = arith.constant dense<0.000000e+00> : vector<8xf32>
      %reduce_sum3A_144 = vector.multi_reduction <add>, %mul3A_142, %reduce_sum3A_143 [1] : vector<8x128xf32> to vector<8xf32>
      %broadcast_in_dim3A_145 = vector.shape_cast %reduce_sum3A_144 : vector<8xf32> to vector<8x1xf32>
      %mul3A_146 = arith.mulf %scan3A_71#3, %convert_element_type3A_138 : vector<8x128xf32>
      %reduce_sum3A_147 = arith.constant dense<0.000000e+00> : vector<8xf32>
      %reduce_sum3A_148 = vector.multi_reduction <add>, %mul3A_146, %reduce_sum3A_147 [1] : vector<8x128xf32> to vector<8xf32>
      %broadcast_in_dim3A_149 = vector.shape_cast %reduce_sum3A_148 : vector<8xf32> to vector<8x1xf32>
      %sub3A_150 = vector.broadcast %broadcast_in_dim3A_141 : vector<8x1xf32> to vector<8x128xf32>
      %sub3A_151 = arith.subf %scan3A_71#1, %sub3A_150 : vector<8x128xf32>
      %integer_pow3A_152 = arith.mulf %sub3A_151, %sub3A_151 : vector<8x128xf32>
      %sub3A_153 = vector.broadcast %broadcast_in_dim3A_145 : vector<8x1xf32> to vector<8x128xf32>
      %sub3A_154 = arith.subf %scan3A_71#2, %sub3A_153 : vector<8x128xf32>
      %integer_pow3A_155 = arith.mulf %sub3A_154, %sub3A_154 : vector<8x128xf32>
      %add3A_156 = arith.addf %integer_pow3A_152, %integer_pow3A_155 : vector<8x128xf32>
      %sub3A_157 = vector.broadcast %broadcast_in_dim3A_149 : vector<8x1xf32> to vector<8x128xf32>
      %sub3A_158 = arith.subf %scan3A_71#3, %sub3A_157 : vector<8x128xf32>
      %integer_pow3A_159 = arith.mulf %sub3A_158, %sub3A_158 : vector<8x128xf32>
      %add3A_160 = arith.addf %add3A_156, %integer_pow3A_159 : vector<8x128xf32>
      %min3A = arith.minimumf %scan3A_125, %add3A_160 : vector<8x128xf32>
      %eq3A_161 = vector.broadcast %scan3A_124 : i32 to vector<8x32xi32>
      %eq3A_162 = arith.cmpi eq, %iota3A_83, %eq3A_161 : vector<8x32xi32>
      %convert_element_type3A_163 = arith.extui %eq3A_162 : vector<8x32xi1> to vector<8x32xi32>
      %convert_element_type3A_164 = arith.sitofp %convert_element_type3A_163 : vector<8x32xi32> to vector<8x32xf32>
      %mul3A_165 = vector.broadcast %broadcast_in_dim3A_141 : vector<8x1xf32> to vector<8x32xf32>
      %mul3A_166 = arith.mulf %mul3A_165, %convert_element_type3A_164 : vector<8x32xf32>
      %add3A_167 = arith.addf %scan3A_126, %mul3A_166 : vector<8x32xf32>
      %mul3A_168 = vector.broadcast %broadcast_in_dim3A_145 : vector<8x1xf32> to vector<8x32xf32>
      %mul3A_169 = arith.mulf %mul3A_168, %convert_element_type3A_164 : vector<8x32xf32>
      %add3A_170 = arith.addf %scan3A_127, %mul3A_169 : vector<8x32xf32>
      %mul3A_171 = vector.broadcast %broadcast_in_dim3A_149 : vector<8x1xf32> to vector<8x32xf32>
      %mul3A_172 = arith.mulf %mul3A_171, %convert_element_type3A_164 : vector<8x32xf32>
      %add3A_173 = arith.addf %scan3A_128, %mul3A_172 : vector<8x32xf32>
      scf.yield %min3A, %add3A_167, %add3A_170, %add3A_173 : vector<8x128xf32>, vector<8x32xf32>, vector<8x32xf32>, vector<8x32xf32>
    }
    %scan3A_114 = arith.constant 31 : i32
    %swap3A_115 = arith.constant 0 : index
    %swap3A_116 = arith.constant 0 : index
    %swap3A_117 = vector.load %arg9[%swap3A_115, %swap3A_116] : memref<8x32xf32, #tpu.memory_space<vmem>>, vector<8x32xf32>
    tpu.vector_store %arg9[%swap3A_115, %swap3A_116], %scan3A_113#1 {strides = array<i32>} : memref<8x32xf32, #tpu.memory_space<vmem>>, vector<8x32xf32>,
    %swap3A_118 = arith.constant 0 : index
    %swap3A_119 = arith.constant 0 : index
    %swap3A_120 = vector.load %arg10[%swap3A_118, %swap3A_119] : memref<8x32xf32, #tpu.memory_space<vmem>>, vector<8x32xf32>
    tpu.vector_store %arg10[%swap3A_118, %swap3A_119], %scan3A_113#2 {strides = array<i32>} : memref<8x32xf32, #tpu.memory_space<vmem>>, vector<8x32xf32>,
    %swap3A_121 = arith.constant 0 : index
    %swap3A_122 = arith.constant 0 : index
    %swap3A_123 = vector.load %arg11[%swap3A_121, %swap3A_122] : memref<8x32xf32, #tpu.memory_space<vmem>>, vector<8x32xf32>
    tpu.vector_store %arg11[%swap3A_121, %swap3A_122], %scan3A_113#3 {strides = array<i32>} : memref<8x32xf32, #tpu.memory_space<vmem>>, vector<8x32xf32>,
    return
  }
}

module attributes {stable_mosaic.version = 14 : i64} {
  func.func @_select_body(%arg0: i32, %arg1: memref<1x512x3xf32, #tpu.memory_space<vmem>>, %arg2: memref<1x3x2048xf32, #tpu.memory_space<vmem>>, %arg3: memref<1x512x64xi32, #tpu.memory_space<vmem>>, %arg4: memref<1x512x64xf32, #tpu.memory_space<vmem>>) attributes {dimension_semantics = [#tpu.dimension_semantics<arbitrary>], iteration_bounds = array<i64: 8>, scalar_prefetch = 0 : i64, scratch_operands = 0 : i64, tpu.core_type = #tpu.core_type<tc>, window_params = [{transform_indices = @transform_0, window_bounds = array<i64: 1, 512, 3>}, {transform_indices = @transform_1, window_bounds = array<i64: 1, 3, 2048>}, {transform_indices = @transform_2, window_bounds = array<i64: 1, 512, 64>}, {transform_indices = @transform_3, window_bounds = array<i64: 1, 512, 64>}]} {
    %get3A = arith.constant 0 : index
    %get3A_0 = arith.constant 0 : index
    %get3A_1 = arith.constant 0 : index
    %get3A_2 = vector.load %arg1[%get3A, %get3A_0, %get3A_1] : memref<1x512x3xf32, #tpu.memory_space<vmem>>, vector<1x512x3xf32>
    %get3A_3 = vector.shape_cast %get3A_2 : vector<1x512x3xf32> to vector<512x3xf32>
    %get3A_4 = arith.constant 0 : index
    %get3A_5 = arith.constant 0 : index
    %get3A_6 = arith.constant 0 : index
    %get3A_7 = vector.load %arg2[%get3A_4, %get3A_5, %get3A_6] : memref<1x3x2048xf32, #tpu.memory_space<vmem>>, vector<1x3x2048xf32>
    %get3A_8 = vector.shape_cast %get3A_7 : vector<1x3x2048xf32> to vector<3x2048xf32>
    %slice3A = vector.extract_strided_slice %get3A_3 {offsets = [0, 0], sizes = [512, 1], strides = [1, 1]} : vector<512x3xf32> to vector<512x1xf32>
    %slice3A_9 = vector.extract_strided_slice %get3A_3 {offsets = [0, 1], sizes = [512, 1], strides = [1, 1]} : vector<512x3xf32> to vector<512x1xf32>
    %slice3A_10 = vector.extract_strided_slice %get3A_3 {offsets = [0, 2], sizes = [512, 1], strides = [1, 1]} : vector<512x3xf32> to vector<512x1xf32>
    %slice3A_11 = vector.extract_strided_slice %get3A_8 {offsets = [0, 0], sizes = [1, 2048], strides = [1, 1]} : vector<3x2048xf32> to vector<1x2048xf32>
    %slice3A_12 = vector.extract_strided_slice %get3A_8 {offsets = [1, 0], sizes = [1, 2048], strides = [1, 1]} : vector<3x2048xf32> to vector<1x2048xf32>
    %slice3A_13 = vector.extract_strided_slice %get3A_8 {offsets = [2, 0], sizes = [1, 2048], strides = [1, 1]} : vector<3x2048xf32> to vector<1x2048xf32>
    %sub3A = vector.broadcast %slice3A : vector<512x1xf32> to vector<512x2048xf32>
    %sub3A_14 = vector.broadcast %slice3A_11 : vector<1x2048xf32> to vector<512x2048xf32>
    %sub3A_15 = arith.subf %sub3A, %sub3A_14 : vector<512x2048xf32>
    %integer_pow3A = arith.mulf %sub3A_15, %sub3A_15 : vector<512x2048xf32>
    %sub3A_16 = vector.broadcast %slice3A_9 : vector<512x1xf32> to vector<512x2048xf32>
    %sub3A_17 = vector.broadcast %slice3A_12 : vector<1x2048xf32> to vector<512x2048xf32>
    %sub3A_18 = arith.subf %sub3A_16, %sub3A_17 : vector<512x2048xf32>
    %integer_pow3A_19 = arith.mulf %sub3A_18, %sub3A_18 : vector<512x2048xf32>
    %add3A = arith.addf %integer_pow3A, %integer_pow3A_19 : vector<512x2048xf32>
    %sub3A_20 = vector.broadcast %slice3A_10 : vector<512x1xf32> to vector<512x2048xf32>
    %sub3A_21 = vector.broadcast %slice3A_13 : vector<1x2048xf32> to vector<512x2048xf32>
    %sub3A_22 = arith.subf %sub3A_20, %sub3A_21 : vector<512x2048xf32>
    %integer_pow3A_23 = arith.mulf %sub3A_22, %sub3A_22 : vector<512x2048xf32>
    %add3A_24 = arith.addf %add3A, %integer_pow3A_23 : vector<512x2048xf32>
    %iota3A = tpu.iota {dimensions = array<i32: 1>} : vector<512x2048xi32>
    %iota3A_25 = tpu.iota {dimensions = array<i32: 1>} : vector<512x64xi32>
    %broadcast_in_dim3A = arith.constant 0 : i32
    %broadcast_in_dim3A_26 = vector.broadcast %broadcast_in_dim3A : i32 to vector<512x64xi32>
    %broadcast_in_dim3A_27 = arith.constant 0.000000e+00 : f32
    %broadcast_in_dim3A_28 = vector.broadcast %broadcast_in_dim3A_27 : f32 to vector<512x64xf32>
    %scan3A = arith.constant 0x7F800000 : f32
    %scan3A_29 = arith.constant 0 : i32
    %scan3A_30 = arith.constant 64 : i32
    %scan3A_31 = arith.addi %scan3A_29, %scan3A_30 : i32
    %scan3A_32 = arith.constant 1 : i32
    %scan3A_33:3 = scf.for %scan3A_49 = %scan3A_29 to %scan3A_31 step %scan3A_32 iter_args(%scan3A_50 = %add3A_24, %scan3A_51 = %broadcast_in_dim3A_26, %scan3A_52 = %broadcast_in_dim3A_28) -> (vector<512x2048xf32>, vector<512x64xi32>, vector<512x64xf32>)  : i32 {
      %reduce_min3A = arith.constant dense<0x7F800000> : vector<512xf32>
      %reduce_min3A_53 = vector.multi_reduction <minimumf>, %scan3A_50, %reduce_min3A [1] : vector<512x2048xf32> to vector<512xf32>
      %broadcast_in_dim3A_54 = vector.shape_cast %reduce_min3A_53 : vector<512xf32> to vector<512x1xf32>
      %eq3A = vector.broadcast %broadcast_in_dim3A_54 : vector<512x1xf32> to vector<512x2048xf32>
      %eq3A_55 = arith.cmpf oeq, %scan3A_50, %eq3A : vector<512x2048xf32>
      %jit3A = arith.constant 2048 : i32
      %broadcast_in_dim3A_56 = vector.broadcast %jit3A : i32 to vector<512x2048xi32>
      %select_n3A = arith.select %eq3A_55, %iota3A, %broadcast_in_dim3A_56 : vector<512x2048xi1>, vector<512x2048xi32>
      %reduce_min3A_57 = arith.constant dense<2147483647> : vector<512xi32>
      %reduce_min3A_58 = vector.multi_reduction <minsi>, %select_n3A, %reduce_min3A_57 [1] : vector<512x2048xi32> to vector<512xi32>
      %broadcast_in_dim3A_59 = vector.shape_cast %reduce_min3A_58 : vector<512xi32> to vector<512x1xi32>
      %eq3A_60 = vector.broadcast %broadcast_in_dim3A_59 : vector<512x1xi32> to vector<512x2048xi32>
      %eq3A_61 = arith.cmpi eq, %iota3A, %eq3A_60 : vector<512x2048xi32>
      %broadcast_in_dim3A_62 = vector.broadcast %scan3A : f32 to vector<512x2048xf32>
      %select_n3A_63 = arith.select %eq3A_61, %broadcast_in_dim3A_62, %scan3A_50 : vector<512x2048xi1>, vector<512x2048xf32>
      %eq3A_64 = vector.broadcast %scan3A_49 : i32 to vector<512x64xi32>
      %eq3A_65 = arith.cmpi eq, %iota3A_25, %eq3A_64 : vector<512x64xi32>
      %broadcast_in_dim3A_66 = vector.shape_cast %broadcast_in_dim3A_59 : vector<512x1xi32> to vector<512x1xi32>
      %broadcast_in_dim3A_67 = vector.broadcast %broadcast_in_dim3A_66 : vector<512x1xi32> to vector<512x64xi32>
      %select_n3A_68 = arith.select %eq3A_65, %broadcast_in_dim3A_67, %scan3A_51 : vector<512x64xi1>, vector<512x64xi32>
      %le3A = arith.constant 4.000000e-02 : f32
      %le3A_69 = vector.broadcast %le3A : f32 to vector<512x1xf32>
      %le3A_70 = arith.cmpf ole, %broadcast_in_dim3A_54, %le3A_69 : vector<512x1xf32>
      %convert_element_type3A = arith.extui %le3A_70 : vector<512x1xi1> to vector<512x1xi32>
      %convert_element_type3A_71 = arith.sitofp %convert_element_type3A : vector<512x1xi32> to vector<512x1xf32>
      %broadcast_in_dim3A_72 = vector.shape_cast %convert_element_type3A_71 : vector<512x1xf32> to vector<512x1xf32>
      %broadcast_in_dim3A_73 = vector.broadcast %broadcast_in_dim3A_72 : vector<512x1xf32> to vector<512x64xf32>
      %select_n3A_74 = arith.select %eq3A_65, %broadcast_in_dim3A_73, %scan3A_52 : vector<512x64xi1>, vector<512x64xf32>
      scf.yield %select_n3A_63, %select_n3A_68, %select_n3A_74 : vector<512x2048xf32>, vector<512x64xi32>, vector<512x64xf32>
    }
    %scan3A_34 = arith.constant 64 : i32
    %mul3A = arith.constant 2048 : i32
    %mul3A_35 = arith.muli %arg0, %mul3A : i32
    %add3A_36 = vector.broadcast %mul3A_35 : i32 to vector<512x64xi32>
    %add3A_37 = arith.addi %scan3A_33#1, %add3A_36 : vector<512x64xi32>
    %swap3A = arith.constant 0 : index
    %swap3A_38 = arith.constant 0 : index
    %swap3A_39 = arith.constant 0 : index
    %swap3A_40 = vector.load %arg3[%swap3A, %swap3A_38, %swap3A_39] : memref<1x512x64xi32, #tpu.memory_space<vmem>>, vector<1x512x64xi32>
    %swap3A_41 = vector.shape_cast %swap3A_40 : vector<1x512x64xi32> to vector<512x64xi32>
    %swap3A_42 = vector.shape_cast %add3A_37 : vector<512x64xi32> to vector<1x512x64xi32>
    tpu.vector_store %arg3[%swap3A, %swap3A_38, %swap3A_39], %swap3A_42 {strides = array<i32>} : memref<1x512x64xi32, #tpu.memory_space<vmem>>, vector<1x512x64xi32>,
    %swap3A_43 = arith.constant 0 : index
    %swap3A_44 = arith.constant 0 : index
    %swap3A_45 = arith.constant 0 : index
    %swap3A_46 = vector.load %arg4[%swap3A_43, %swap3A_44, %swap3A_45] : memref<1x512x64xf32, #tpu.memory_space<vmem>>, vector<1x512x64xf32>
    %swap3A_47 = vector.shape_cast %swap3A_46 : vector<1x512x64xf32> to vector<512x64xf32>
    %swap3A_48 = vector.shape_cast %scan3A_33#2 : vector<512x64xf32> to vector<1x512x64xf32>
    tpu.vector_store %arg4[%swap3A_43, %swap3A_44, %swap3A_45], %swap3A_48 {strides = array<i32>} : memref<1x512x64xf32, #tpu.memory_space<vmem>>, vector<1x512x64xf32>,
    return
  }
  func.func @transform_0(%arg0: i32) -> (i32, i32, i32) {
    %c0_i32 = arith.constant 0 : i32
    %c0_i32_0 = arith.constant 0 : i32
    %c0_i32_1 = arith.constant 0 : i32
    return %arg0, %c0_i32, %c0_i32_0 : i32, i32, i32
  }
  func.func @transform_1(%arg0: i32) -> (i32, i32, i32) {
    %c0_i32 = arith.constant 0 : i32
    %c0_i32_0 = arith.constant 0 : i32
    %c0_i32_1 = arith.constant 0 : i32
    return %arg0, %c0_i32, %c0_i32_0 : i32, i32, i32
  }
  func.func @transform_2(%arg0: i32) -> (i32, i32, i32) {
    %c0_i32 = arith.constant 0 : i32
    %c0_i32_0 = arith.constant 0 : i32
    %c0_i32_1 = arith.constant 0 : i32
    return %arg0, %c0_i32, %c0_i32_0 : i32, i32, i32
  }
  func.func @transform_3(%arg0: i32) -> (i32, i32, i32) {
    %c0_i32 = arith.constant 0 : i32
    %c0_i32_0 = arith.constant 0 : i32
    %c0_i32_1 = arith.constant 0 : i32
    return %arg0, %c0_i32, %c0_i32_0 : i32, i32, i32
  }
}

module attributes {stable_mosaic.version = 14 : i64} {
  func.func @_select_body(%arg0: i32, %arg1: memref<1x128x3xf32, #tpu.memory_space<vmem>>, %arg2: memref<1x3x512xf32, #tpu.memory_space<vmem>>, %arg3: memref<1x128x64xi32, #tpu.memory_space<vmem>>, %arg4: memref<1x128x64xf32, #tpu.memory_space<vmem>>) attributes {dimension_semantics = [#tpu.dimension_semantics<arbitrary>], iteration_bounds = array<i64: 8>, scalar_prefetch = 0 : i64, scratch_operands = 0 : i64, tpu.core_type = #tpu.core_type<tc>, window_params = [{transform_indices = @transform_0, window_bounds = array<i64: 1, 128, 3>}, {transform_indices = @transform_1, window_bounds = array<i64: 1, 3, 512>}, {transform_indices = @transform_2, window_bounds = array<i64: 1, 128, 64>}, {transform_indices = @transform_3, window_bounds = array<i64: 1, 128, 64>}]} {
    %get3A = arith.constant 0 : index
    %get3A_0 = arith.constant 0 : index
    %get3A_1 = arith.constant 0 : index
    %get3A_2 = vector.load %arg1[%get3A, %get3A_0, %get3A_1] : memref<1x128x3xf32, #tpu.memory_space<vmem>>, vector<1x128x3xf32>
    %get3A_3 = vector.shape_cast %get3A_2 : vector<1x128x3xf32> to vector<128x3xf32>
    %get3A_4 = arith.constant 0 : index
    %get3A_5 = arith.constant 0 : index
    %get3A_6 = arith.constant 0 : index
    %get3A_7 = vector.load %arg2[%get3A_4, %get3A_5, %get3A_6] : memref<1x3x512xf32, #tpu.memory_space<vmem>>, vector<1x3x512xf32>
    %get3A_8 = vector.shape_cast %get3A_7 : vector<1x3x512xf32> to vector<3x512xf32>
    %slice3A = vector.extract_strided_slice %get3A_3 {offsets = [0, 0], sizes = [128, 1], strides = [1, 1]} : vector<128x3xf32> to vector<128x1xf32>
    %slice3A_9 = vector.extract_strided_slice %get3A_3 {offsets = [0, 1], sizes = [128, 1], strides = [1, 1]} : vector<128x3xf32> to vector<128x1xf32>
    %slice3A_10 = vector.extract_strided_slice %get3A_3 {offsets = [0, 2], sizes = [128, 1], strides = [1, 1]} : vector<128x3xf32> to vector<128x1xf32>
    %slice3A_11 = vector.extract_strided_slice %get3A_8 {offsets = [0, 0], sizes = [1, 512], strides = [1, 1]} : vector<3x512xf32> to vector<1x512xf32>
    %slice3A_12 = vector.extract_strided_slice %get3A_8 {offsets = [1, 0], sizes = [1, 512], strides = [1, 1]} : vector<3x512xf32> to vector<1x512xf32>
    %slice3A_13 = vector.extract_strided_slice %get3A_8 {offsets = [2, 0], sizes = [1, 512], strides = [1, 1]} : vector<3x512xf32> to vector<1x512xf32>
    %sub3A = vector.broadcast %slice3A : vector<128x1xf32> to vector<128x512xf32>
    %sub3A_14 = vector.broadcast %slice3A_11 : vector<1x512xf32> to vector<128x512xf32>
    %sub3A_15 = arith.subf %sub3A, %sub3A_14 : vector<128x512xf32>
    %integer_pow3A = arith.mulf %sub3A_15, %sub3A_15 : vector<128x512xf32>
    %sub3A_16 = vector.broadcast %slice3A_9 : vector<128x1xf32> to vector<128x512xf32>
    %sub3A_17 = vector.broadcast %slice3A_12 : vector<1x512xf32> to vector<128x512xf32>
    %sub3A_18 = arith.subf %sub3A_16, %sub3A_17 : vector<128x512xf32>
    %integer_pow3A_19 = arith.mulf %sub3A_18, %sub3A_18 : vector<128x512xf32>
    %add3A = arith.addf %integer_pow3A, %integer_pow3A_19 : vector<128x512xf32>
    %sub3A_20 = vector.broadcast %slice3A_10 : vector<128x1xf32> to vector<128x512xf32>
    %sub3A_21 = vector.broadcast %slice3A_13 : vector<1x512xf32> to vector<128x512xf32>
    %sub3A_22 = arith.subf %sub3A_20, %sub3A_21 : vector<128x512xf32>
    %integer_pow3A_23 = arith.mulf %sub3A_22, %sub3A_22 : vector<128x512xf32>
    %add3A_24 = arith.addf %add3A, %integer_pow3A_23 : vector<128x512xf32>
    %iota3A = tpu.iota {dimensions = array<i32: 1>} : vector<128x512xi32>
    %iota3A_25 = tpu.iota {dimensions = array<i32: 1>} : vector<128x64xi32>
    %broadcast_in_dim3A = arith.constant 0 : i32
    %broadcast_in_dim3A_26 = vector.broadcast %broadcast_in_dim3A : i32 to vector<128x64xi32>
    %broadcast_in_dim3A_27 = arith.constant 0.000000e+00 : f32
    %broadcast_in_dim3A_28 = vector.broadcast %broadcast_in_dim3A_27 : f32 to vector<128x64xf32>
    %scan3A = arith.constant 0x7F800000 : f32
    %scan3A_29 = arith.constant 0 : i32
    %scan3A_30 = arith.constant 64 : i32
    %scan3A_31 = arith.addi %scan3A_29, %scan3A_30 : i32
    %scan3A_32 = arith.constant 1 : i32
    %scan3A_33:3 = scf.for %scan3A_49 = %scan3A_29 to %scan3A_31 step %scan3A_32 iter_args(%scan3A_50 = %add3A_24, %scan3A_51 = %broadcast_in_dim3A_26, %scan3A_52 = %broadcast_in_dim3A_28) -> (vector<128x512xf32>, vector<128x64xi32>, vector<128x64xf32>)  : i32 {
      %reduce_min3A = arith.constant dense<0x7F800000> : vector<128xf32>
      %reduce_min3A_53 = vector.multi_reduction <minimumf>, %scan3A_50, %reduce_min3A [1] : vector<128x512xf32> to vector<128xf32>
      %broadcast_in_dim3A_54 = vector.shape_cast %reduce_min3A_53 : vector<128xf32> to vector<128x1xf32>
      %eq3A = vector.broadcast %broadcast_in_dim3A_54 : vector<128x1xf32> to vector<128x512xf32>
      %eq3A_55 = arith.cmpf oeq, %scan3A_50, %eq3A : vector<128x512xf32>
      %jit3A = arith.constant 512 : i32
      %broadcast_in_dim3A_56 = vector.broadcast %jit3A : i32 to vector<128x512xi32>
      %select_n3A = arith.select %eq3A_55, %iota3A, %broadcast_in_dim3A_56 : vector<128x512xi1>, vector<128x512xi32>
      %reduce_min3A_57 = arith.constant dense<2147483647> : vector<128xi32>
      %reduce_min3A_58 = vector.multi_reduction <minsi>, %select_n3A, %reduce_min3A_57 [1] : vector<128x512xi32> to vector<128xi32>
      %broadcast_in_dim3A_59 = vector.shape_cast %reduce_min3A_58 : vector<128xi32> to vector<128x1xi32>
      %eq3A_60 = vector.broadcast %broadcast_in_dim3A_59 : vector<128x1xi32> to vector<128x512xi32>
      %eq3A_61 = arith.cmpi eq, %iota3A, %eq3A_60 : vector<128x512xi32>
      %broadcast_in_dim3A_62 = vector.broadcast %scan3A : f32 to vector<128x512xf32>
      %select_n3A_63 = arith.select %eq3A_61, %broadcast_in_dim3A_62, %scan3A_50 : vector<128x512xi1>, vector<128x512xf32>
      %eq3A_64 = vector.broadcast %scan3A_49 : i32 to vector<128x64xi32>
      %eq3A_65 = arith.cmpi eq, %iota3A_25, %eq3A_64 : vector<128x64xi32>
      %broadcast_in_dim3A_66 = vector.shape_cast %broadcast_in_dim3A_59 : vector<128x1xi32> to vector<128x1xi32>
      %broadcast_in_dim3A_67 = vector.broadcast %broadcast_in_dim3A_66 : vector<128x1xi32> to vector<128x64xi32>
      %select_n3A_68 = arith.select %eq3A_65, %broadcast_in_dim3A_67, %scan3A_51 : vector<128x64xi1>, vector<128x64xi32>
      %le3A = arith.constant 1.600000e-01 : f32
      %le3A_69 = vector.broadcast %le3A : f32 to vector<128x1xf32>
      %le3A_70 = arith.cmpf ole, %broadcast_in_dim3A_54, %le3A_69 : vector<128x1xf32>
      %convert_element_type3A = arith.extui %le3A_70 : vector<128x1xi1> to vector<128x1xi32>
      %convert_element_type3A_71 = arith.sitofp %convert_element_type3A : vector<128x1xi32> to vector<128x1xf32>
      %broadcast_in_dim3A_72 = vector.shape_cast %convert_element_type3A_71 : vector<128x1xf32> to vector<128x1xf32>
      %broadcast_in_dim3A_73 = vector.broadcast %broadcast_in_dim3A_72 : vector<128x1xf32> to vector<128x64xf32>
      %select_n3A_74 = arith.select %eq3A_65, %broadcast_in_dim3A_73, %scan3A_52 : vector<128x64xi1>, vector<128x64xf32>
      scf.yield %select_n3A_63, %select_n3A_68, %select_n3A_74 : vector<128x512xf32>, vector<128x64xi32>, vector<128x64xf32>
    }
    %scan3A_34 = arith.constant 64 : i32
    %mul3A = arith.constant 512 : i32
    %mul3A_35 = arith.muli %arg0, %mul3A : i32
    %add3A_36 = vector.broadcast %mul3A_35 : i32 to vector<128x64xi32>
    %add3A_37 = arith.addi %scan3A_33#1, %add3A_36 : vector<128x64xi32>
    %swap3A = arith.constant 0 : index
    %swap3A_38 = arith.constant 0 : index
    %swap3A_39 = arith.constant 0 : index
    %swap3A_40 = vector.load %arg3[%swap3A, %swap3A_38, %swap3A_39] : memref<1x128x64xi32, #tpu.memory_space<vmem>>, vector<1x128x64xi32>
    %swap3A_41 = vector.shape_cast %swap3A_40 : vector<1x128x64xi32> to vector<128x64xi32>
    %swap3A_42 = vector.shape_cast %add3A_37 : vector<128x64xi32> to vector<1x128x64xi32>
    tpu.vector_store %arg3[%swap3A, %swap3A_38, %swap3A_39], %swap3A_42 {strides = array<i32>} : memref<1x128x64xi32, #tpu.memory_space<vmem>>, vector<1x128x64xi32>,
    %swap3A_43 = arith.constant 0 : index
    %swap3A_44 = arith.constant 0 : index
    %swap3A_45 = arith.constant 0 : index
    %swap3A_46 = vector.load %arg4[%swap3A_43, %swap3A_44, %swap3A_45] : memref<1x128x64xf32, #tpu.memory_space<vmem>>, vector<1x128x64xf32>
    %swap3A_47 = vector.shape_cast %swap3A_46 : vector<1x128x64xf32> to vector<128x64xf32>
    %swap3A_48 = vector.shape_cast %scan3A_33#2 : vector<128x64xf32> to vector<1x128x64xf32>
    tpu.vector_store %arg4[%swap3A_43, %swap3A_44, %swap3A_45], %swap3A_48 {strides = array<i32>} : memref<1x128x64xf32, #tpu.memory_space<vmem>>, vector<1x128x64xf32>,
    return
  }
  func.func @transform_0(%arg0: i32) -> (i32, i32, i32) {
    %c0_i32 = arith.constant 0 : i32
    %c0_i32_0 = arith.constant 0 : i32
    %c0_i32_1 = arith.constant 0 : i32
    return %arg0, %c0_i32, %c0_i32_0 : i32, i32, i32
  }
  func.func @transform_1(%arg0: i32) -> (i32, i32, i32) {
    %c0_i32 = arith.constant 0 : i32
    %c0_i32_0 = arith.constant 0 : i32
    %c0_i32_1 = arith.constant 0 : i32
    return %arg0, %c0_i32, %c0_i32_0 : i32, i32, i32
  }
  func.func @transform_2(%arg0: i32) -> (i32, i32, i32) {
    %c0_i32 = arith.constant 0 : i32
    %c0_i32_0 = arith.constant 0 : i32
    %c0_i32_1 = arith.constant 0 : i32
    return %arg0, %c0_i32, %c0_i32_0 : i32, i32, i32
  }
  func.func @transform_3(%arg0: i32) -> (i32, i32, i32) {
    %c0_i32 = arith.constant 0 : i32
    %c0_i32_0 = arith.constant 0 : i32
    %c0_i32_1 = arith.constant 0 : i32
    return %arg0, %c0_i32, %c0_i32_0 : i32, i32, i32
  }
}

module attributes {stable_mosaic.version = 14 : i64} {
  func.func @_select_body(%arg0: i32, %arg1: memref<1x32x3xf32, #tpu.memory_space<vmem>>, %arg2: memref<1x3x128xf32, #tpu.memory_space<vmem>>, %arg3: memref<1x32x64xi32, #tpu.memory_space<vmem>>, %arg4: memref<1x32x64xf32, #tpu.memory_space<vmem>>) attributes {dimension_semantics = [#tpu.dimension_semantics<arbitrary>], iteration_bounds = array<i64: 8>, scalar_prefetch = 0 : i64, scratch_operands = 0 : i64, tpu.core_type = #tpu.core_type<tc>, window_params = [{transform_indices = @transform_0, window_bounds = array<i64: 1, 32, 3>}, {transform_indices = @transform_1, window_bounds = array<i64: 1, 3, 128>}, {transform_indices = @transform_2, window_bounds = array<i64: 1, 32, 64>}, {transform_indices = @transform_3, window_bounds = array<i64: 1, 32, 64>}]} {
    %get3A = arith.constant 0 : index
    %get3A_0 = arith.constant 0 : index
    %get3A_1 = arith.constant 0 : index
    %get3A_2 = vector.load %arg1[%get3A, %get3A_0, %get3A_1] : memref<1x32x3xf32, #tpu.memory_space<vmem>>, vector<1x32x3xf32>
    %get3A_3 = vector.shape_cast %get3A_2 : vector<1x32x3xf32> to vector<32x3xf32>
    %get3A_4 = arith.constant 0 : index
    %get3A_5 = arith.constant 0 : index
    %get3A_6 = arith.constant 0 : index
    %get3A_7 = vector.load %arg2[%get3A_4, %get3A_5, %get3A_6] : memref<1x3x128xf32, #tpu.memory_space<vmem>>, vector<1x3x128xf32>
    %get3A_8 = vector.shape_cast %get3A_7 : vector<1x3x128xf32> to vector<3x128xf32>
    %slice3A = vector.extract_strided_slice %get3A_3 {offsets = [0, 0], sizes = [32, 1], strides = [1, 1]} : vector<32x3xf32> to vector<32x1xf32>
    %slice3A_9 = vector.extract_strided_slice %get3A_3 {offsets = [0, 1], sizes = [32, 1], strides = [1, 1]} : vector<32x3xf32> to vector<32x1xf32>
    %slice3A_10 = vector.extract_strided_slice %get3A_3 {offsets = [0, 2], sizes = [32, 1], strides = [1, 1]} : vector<32x3xf32> to vector<32x1xf32>
    %slice3A_11 = vector.extract_strided_slice %get3A_8 {offsets = [0, 0], sizes = [1, 128], strides = [1, 1]} : vector<3x128xf32> to vector<1x128xf32>
    %slice3A_12 = vector.extract_strided_slice %get3A_8 {offsets = [1, 0], sizes = [1, 128], strides = [1, 1]} : vector<3x128xf32> to vector<1x128xf32>
    %slice3A_13 = vector.extract_strided_slice %get3A_8 {offsets = [2, 0], sizes = [1, 128], strides = [1, 1]} : vector<3x128xf32> to vector<1x128xf32>
    %sub3A = vector.broadcast %slice3A : vector<32x1xf32> to vector<32x128xf32>
    %sub3A_14 = vector.broadcast %slice3A_11 : vector<1x128xf32> to vector<32x128xf32>
    %sub3A_15 = arith.subf %sub3A, %sub3A_14 : vector<32x128xf32>
    %integer_pow3A = arith.mulf %sub3A_15, %sub3A_15 : vector<32x128xf32>
    %sub3A_16 = vector.broadcast %slice3A_9 : vector<32x1xf32> to vector<32x128xf32>
    %sub3A_17 = vector.broadcast %slice3A_12 : vector<1x128xf32> to vector<32x128xf32>
    %sub3A_18 = arith.subf %sub3A_16, %sub3A_17 : vector<32x128xf32>
    %integer_pow3A_19 = arith.mulf %sub3A_18, %sub3A_18 : vector<32x128xf32>
    %add3A = arith.addf %integer_pow3A, %integer_pow3A_19 : vector<32x128xf32>
    %sub3A_20 = vector.broadcast %slice3A_10 : vector<32x1xf32> to vector<32x128xf32>
    %sub3A_21 = vector.broadcast %slice3A_13 : vector<1x128xf32> to vector<32x128xf32>
    %sub3A_22 = arith.subf %sub3A_20, %sub3A_21 : vector<32x128xf32>
    %integer_pow3A_23 = arith.mulf %sub3A_22, %sub3A_22 : vector<32x128xf32>
    %add3A_24 = arith.addf %add3A, %integer_pow3A_23 : vector<32x128xf32>
    %iota3A = tpu.iota {dimensions = array<i32: 1>} : vector<32x128xi32>
    %iota3A_25 = tpu.iota {dimensions = array<i32: 1>} : vector<32x64xi32>
    %broadcast_in_dim3A = arith.constant 0 : i32
    %broadcast_in_dim3A_26 = vector.broadcast %broadcast_in_dim3A : i32 to vector<32x64xi32>
    %broadcast_in_dim3A_27 = arith.constant 0.000000e+00 : f32
    %broadcast_in_dim3A_28 = vector.broadcast %broadcast_in_dim3A_27 : f32 to vector<32x64xf32>
    %scan3A = arith.constant 0x7F800000 : f32
    %scan3A_29 = arith.constant 0 : i32
    %scan3A_30 = arith.constant 64 : i32
    %scan3A_31 = arith.addi %scan3A_29, %scan3A_30 : i32
    %scan3A_32 = arith.constant 1 : i32
    %scan3A_33:3 = scf.for %scan3A_49 = %scan3A_29 to %scan3A_31 step %scan3A_32 iter_args(%scan3A_50 = %add3A_24, %scan3A_51 = %broadcast_in_dim3A_26, %scan3A_52 = %broadcast_in_dim3A_28) -> (vector<32x128xf32>, vector<32x64xi32>, vector<32x64xf32>)  : i32 {
      %reduce_min3A = arith.constant dense<0x7F800000> : vector<32xf32>
      %reduce_min3A_53 = vector.multi_reduction <minimumf>, %scan3A_50, %reduce_min3A [1] : vector<32x128xf32> to vector<32xf32>
      %broadcast_in_dim3A_54 = vector.shape_cast %reduce_min3A_53 : vector<32xf32> to vector<32x1xf32>
      %eq3A = vector.broadcast %broadcast_in_dim3A_54 : vector<32x1xf32> to vector<32x128xf32>
      %eq3A_55 = arith.cmpf oeq, %scan3A_50, %eq3A : vector<32x128xf32>
      %jit3A = arith.constant 128 : i32
      %broadcast_in_dim3A_56 = vector.broadcast %jit3A : i32 to vector<32x128xi32>
      %select_n3A = arith.select %eq3A_55, %iota3A, %broadcast_in_dim3A_56 : vector<32x128xi1>, vector<32x128xi32>
      %reduce_min3A_57 = arith.constant dense<2147483647> : vector<32xi32>
      %reduce_min3A_58 = vector.multi_reduction <minsi>, %select_n3A, %reduce_min3A_57 [1] : vector<32x128xi32> to vector<32xi32>
      %broadcast_in_dim3A_59 = vector.shape_cast %reduce_min3A_58 : vector<32xi32> to vector<32x1xi32>
      %eq3A_60 = vector.broadcast %broadcast_in_dim3A_59 : vector<32x1xi32> to vector<32x128xi32>
      %eq3A_61 = arith.cmpi eq, %iota3A, %eq3A_60 : vector<32x128xi32>
      %broadcast_in_dim3A_62 = vector.broadcast %scan3A : f32 to vector<32x128xf32>
      %select_n3A_63 = arith.select %eq3A_61, %broadcast_in_dim3A_62, %scan3A_50 : vector<32x128xi1>, vector<32x128xf32>
      %eq3A_64 = vector.broadcast %scan3A_49 : i32 to vector<32x64xi32>
      %eq3A_65 = arith.cmpi eq, %iota3A_25, %eq3A_64 : vector<32x64xi32>
      %broadcast_in_dim3A_66 = vector.shape_cast %broadcast_in_dim3A_59 : vector<32x1xi32> to vector<32x1xi32>
      %broadcast_in_dim3A_67 = vector.broadcast %broadcast_in_dim3A_66 : vector<32x1xi32> to vector<32x64xi32>
      %select_n3A_68 = arith.select %eq3A_65, %broadcast_in_dim3A_67, %scan3A_51 : vector<32x64xi1>, vector<32x64xi32>
      %le3A = arith.constant 6.400000e-01 : f32
      %le3A_69 = vector.broadcast %le3A : f32 to vector<32x1xf32>
      %le3A_70 = arith.cmpf ole, %broadcast_in_dim3A_54, %le3A_69 : vector<32x1xf32>
      %convert_element_type3A = arith.extui %le3A_70 : vector<32x1xi1> to vector<32x1xi32>
      %convert_element_type3A_71 = arith.sitofp %convert_element_type3A : vector<32x1xi32> to vector<32x1xf32>
      %broadcast_in_dim3A_72 = vector.shape_cast %convert_element_type3A_71 : vector<32x1xf32> to vector<32x1xf32>
      %broadcast_in_dim3A_73 = vector.broadcast %broadcast_in_dim3A_72 : vector<32x1xf32> to vector<32x64xf32>
      %select_n3A_74 = arith.select %eq3A_65, %broadcast_in_dim3A_73, %scan3A_52 : vector<32x64xi1>, vector<32x64xf32>
      scf.yield %select_n3A_63, %select_n3A_68, %select_n3A_74 : vector<32x128xf32>, vector<32x64xi32>, vector<32x64xf32>
    }
    %scan3A_34 = arith.constant 64 : i32
    %mul3A = arith.constant 128 : i32
    %mul3A_35 = arith.muli %arg0, %mul3A : i32
    %add3A_36 = vector.broadcast %mul3A_35 : i32 to vector<32x64xi32>
    %add3A_37 = arith.addi %scan3A_33#1, %add3A_36 : vector<32x64xi32>
    %swap3A = arith.constant 0 : index
    %swap3A_38 = arith.constant 0 : index
    %swap3A_39 = arith.constant 0 : index
    %swap3A_40 = vector.load %arg3[%swap3A, %swap3A_38, %swap3A_39] : memref<1x32x64xi32, #tpu.memory_space<vmem>>, vector<1x32x64xi32>
    %swap3A_41 = vector.shape_cast %swap3A_40 : vector<1x32x64xi32> to vector<32x64xi32>
    %swap3A_42 = vector.shape_cast %add3A_37 : vector<32x64xi32> to vector<1x32x64xi32>
    tpu.vector_store %arg3[%swap3A, %swap3A_38, %swap3A_39], %swap3A_42 {strides = array<i32>} : memref<1x32x64xi32, #tpu.memory_space<vmem>>, vector<1x32x64xi32>,
    %swap3A_43 = arith.constant 0 : index
    %swap3A_44 = arith.constant 0 : index
    %swap3A_45 = arith.constant 0 : index
    %swap3A_46 = vector.load %arg4[%swap3A_43, %swap3A_44, %swap3A_45] : memref<1x32x64xf32, #tpu.memory_space<vmem>>, vector<1x32x64xf32>
    %swap3A_47 = vector.shape_cast %swap3A_46 : vector<1x32x64xf32> to vector<32x64xf32>
    %swap3A_48 = vector.shape_cast %scan3A_33#2 : vector<32x64xf32> to vector<1x32x64xf32>
    tpu.vector_store %arg4[%swap3A_43, %swap3A_44, %swap3A_45], %swap3A_48 {strides = array<i32>} : memref<1x32x64xf32, #tpu.memory_space<vmem>>, vector<1x32x64xf32>,
    return
  }
  func.func @transform_0(%arg0: i32) -> (i32, i32, i32) {
    %c0_i32 = arith.constant 0 : i32
    %c0_i32_0 = arith.constant 0 : i32
    %c0_i32_1 = arith.constant 0 : i32
    return %arg0, %c0_i32, %c0_i32_0 : i32, i32, i32
  }
  func.func @transform_1(%arg0: i32) -> (i32, i32, i32) {
    %c0_i32 = arith.constant 0 : i32
    %c0_i32_0 = arith.constant 0 : i32
    %c0_i32_1 = arith.constant 0 : i32
    return %arg0, %c0_i32, %c0_i32_0 : i32, i32, i32
  }
  func.func @transform_2(%arg0: i32) -> (i32, i32, i32) {
    %c0_i32 = arith.constant 0 : i32
    %c0_i32_0 = arith.constant 0 : i32
    %c0_i32_1 = arith.constant 0 : i32
    return %arg0, %c0_i32, %c0_i32_0 : i32, i32, i32
  }
  func.func @transform_3(%arg0: i32) -> (i32, i32, i32) {
    %c0_i32 = arith.constant 0 : i32
    %c0_i32_0 = arith.constant 0 : i32
    %c0_i32_1 = arith.constant 0 : i32
    return %arg0, %c0_i32, %c0_i32_0 : i32, i32, i32
  }
}

module attributes {stable_mosaic.version = 14 : i64} {
  func.func @_head_body(%arg0: memref<16384x64xf32, #tpu.memory_space<vmem>>, %arg1: memref<64x32xf32, #tpu.memory_space<vmem>>, %arg2: memref<1x32xf32, #tpu.memory_space<vmem>>, %arg3: memref<32x13xf32, #tpu.memory_space<vmem>>, %arg4: memref<1x13xf32, #tpu.memory_space<vmem>>, %arg5: memref<16384x13xf32, #tpu.memory_space<vmem>>) attributes {dimension_semantics = [], scalar_prefetch = 0 : i64, scratch_operands = 0 : i64, tpu.core_type = #tpu.core_type<tc>} {
    %get3A = arith.constant 0 : index
    %get3A_0 = arith.constant 0 : index
    %get3A_1 = vector.load %arg0[%get3A, %get3A_0] : memref<16384x64xf32, #tpu.memory_space<vmem>>, vector<16384x64xf32>
    %get3A_2 = arith.constant 0 : index
    %get3A_3 = arith.constant 0 : index
    %get3A_4 = vector.load %arg1[%get3A_2, %get3A_3] : memref<64x32xf32, #tpu.memory_space<vmem>>, vector<64x32xf32>
    %dot_general3A = arith.constant dense<0.000000e+00> : vector<16384x32xf32>
    %dot_general3A_5 = tpu.matmul %get3A_1, %get3A_4, %dot_general3A {dimension_numbers = #tpu.dot_dimension_numbers<[1], [0], [0], [1], [0, 0, 1, 1], [], []>, transpose_lhs_hint = false} : vector<16384x64xf32>, vector<64x32xf32>, vector<16384x32xf32> -> vector<16384x32xf32>
    %get3A_6 = arith.constant 0 : index
    %get3A_7 = arith.constant 0 : index
    %get3A_8 = vector.load %arg2[%get3A_6, %get3A_7] : memref<1x32xf32, #tpu.memory_space<vmem>>, vector<1x32xf32>
    %add3A = vector.broadcast %get3A_8 : vector<1x32xf32> to vector<16384x32xf32>
    %add3A_9 = arith.addf %dot_general3A_5, %add3A : vector<16384x32xf32>
    %max3A = arith.constant 0.000000e+00 : f32
    %max3A_10 = vector.broadcast %max3A : f32 to vector<16384x32xf32>
    %max3A_11 = arith.maximumf %add3A_9, %max3A_10 : vector<16384x32xf32>
    %get3A_12 = arith.constant 0 : index
    %get3A_13 = arith.constant 0 : index
    %get3A_14 = vector.load %arg3[%get3A_12, %get3A_13] : memref<32x13xf32, #tpu.memory_space<vmem>>, vector<32x13xf32>
    %dot_general3A_15 = arith.constant dense<0.000000e+00> : vector<16384x13xf32>
    %dot_general3A_16 = tpu.matmul %max3A_11, %get3A_14, %dot_general3A_15 {dimension_numbers = #tpu.dot_dimension_numbers<[1], [0], [0], [1], [0, 0, 1, 1], [], []>, transpose_lhs_hint = false} : vector<16384x32xf32>, vector<32x13xf32>, vector<16384x13xf32> -> vector<16384x13xf32>
    %get3A_17 = arith.constant 0 : index
    %get3A_18 = arith.constant 0 : index
    %get3A_19 = vector.load %arg4[%get3A_17, %get3A_18] : memref<1x13xf32, #tpu.memory_space<vmem>>, vector<1x13xf32>
    %add3A_20 = vector.broadcast %get3A_19 : vector<1x13xf32> to vector<16384x13xf32>
    %add3A_21 = arith.addf %dot_general3A_16, %add3A_20 : vector<16384x13xf32>
    %swap3A = arith.constant 0 : index
    %swap3A_22 = arith.constant 0 : index
    %swap3A_23 = vector.load %arg5[%swap3A, %swap3A_22] : memref<16384x13xf32, #tpu.memory_space<vmem>>, vector<16384x13xf32>
    tpu.vector_store %arg5[%swap3A, %swap3A_22], %add3A_21 {strides = array<i32>} : memref<16384x13xf32, #tpu.memory_space<vmem>>, vector<16384x13xf32>,
    return
  }
}

</mosaic_0001>

<sc_bundles>
// kernel: gather_offload_async_start.1
scs
__scs_entry_jumppad:
0x0: {  	(pc) =	sbr.rel $0x88, $3  }
0x1: {  	(tag) =	ssettag $0x0;
	lr =	simm.s32 $0x1  }
0x2: {  	[smem:$0x3F57] =	sst lr;
	_ =	strace $0xD0000000  }
0x3: {  	_ = 	snop  }
0x4: {  	_ = 	snop  }
0x5: {  	_ = 	snop  }
0x6: {  	_ = 	snop  }
0x7: {  	_ = 	snop  }
__scs_overlays_trampoline_lowered:
0x8: {  	[smem:$0x3F66] =	sst s0  }
0x9: {  	[smem:$0x3F67] =	sst s1  }
0xa: {  	[smem:$0x3F68] =	sst s2  }
0xb: {  	[smem:$0x3F69] =	sst s3  }
0xc: {  	[smem:$0x3F6A] =	sst s4  }
0xd: {  	[smem:$0x3F6B] =	sst s5  }
0xe: {  	[smem:$0x3F6C] =	sst s6  }
0xf: {  	[smem:$0x3F6D] =	sst s7  }
0x10: {  	[smem:$0x3F6E] =	sst s8  }
0x11: {  	[smem:$0x3F6F] =	sst s9;
	s0 =	simm.s32 @!p0 $0x0  }
0x12: {  	s1 =	sld [smem:$0x3F55];
	s0 =	simm.s32 @p0 $0x1  }
0x13: {  	[smem:$0x3F70] =	sst s0;
	s0 =	simm.s32 @!p1 $0x0  }
0x14: {  	s2 =	sld [smem:$0x3F54];
	s0 =	simm.s32 @p1 $0x1  }
0x15: {  	[smem:$0x3F71] =	sst s0;
	s0 =	simm.s32 @!p2 $0x0  }
0x16: {  	s3 =	sld [smem:$0x3FDB];
	s0 =	simm.s32 @p2 $0x1  }
0x17: {  	s4 =	simm.s32 $0x1BF5;
	[smem:$0x3F73] =	sst s0  }
0x18: {  	s0 =	sld [smem:$0x3F56];
	_ =	swait.ge [sflag:s4], $0x0  }
0x19: {  	s7 =	sld [smem:$0x3F57]  }
0x1a: {  	s8 =	sadd.s32 $0xFFFFE003, lr  }
0x1b: {  	s9 =	sadd.s32 $0xFFFFFEF7, lr;
	s5 =	simm.s32 $0xFFFFFFFF;
	p2 =	slt.u32 s8, $0xFFFFF086  }
0x1c: {  	p1 =	slt.u32 s9, $0xF7A;
	s5 =	simm.s32 @!p2 $0x0  }
0x1d: {  	s5 =	simm.s32 @p1 $0x1;
	p0 =	seq.s32 s7, s2  }
0x1e: {  	s7 =	smul.u32 @!p0 $0xF7A, s2;
	p2 =	seq.s32 @!p0 s5, $0x0  }
0x1f: {  	s9 =	smul.u32 $0xF7A, s1;
	s8 =	simm.s32 @!p0 $0x1BF5;
	p2 =	por !p2, p0  }
0x20: {  	[sflag:s8] =	ssyncset.s32 @!p0 $0xFFFFF086;
	s6 =	sadd.s32 @!p0 s3, s7;
	s7 =	simm.s32 @!p0 $0x108  }
0x21: {  	s3 =	sadd.s32 s3, s9;
	s6 =	sadd.s32 @!p0 $0x88, s6;
	s7 =	simm.s32 @p2 $0x1082  }
0x22: {  	[simem:s7], [sflag:s8] =	dma.local @!p0 [hbm:s6], $0xF7A  }
0x23: {  	s9 =	sor.u32 $0xD0000000, s2;
	s6 =	simm.s32 $0x108;
	_ =	swait.ge @!p0 [sflag:s8], $0x0  }
0x24: {  	s3 =	sadd.s32 $0x88, s3;
	s6 =	simm.s32 @!p1 $0x1082;
	[sflag:s4] =	ssyncset.s32 $0xFFFFF086  }
0x25: {  	[simem:s6], [sflag:s4] =	dma.local [hbm:s3], $0xF7A  }
0x26: {  	[smem:$0x3F57] =	sst s1;
	(tag) =	ssettag s2;
	_ =	strace s9  }
0x27: {  	s1 =	sld [smem:$0x3F67]  }
0x28: {  	s2 =	sld [smem:$0x3F68]  }
0x29: {  	s4 =	sld [smem:$0x3F6A]  }
0x2a: {  	p0 =	seq.s32 s5, $0x0;
	s5 =	sld [smem:$0x3F6B]  }
0x2b: {  	s6 =	sld [smem:$0x3F6C]  }
0x2c: {  	s7 =	sld [smem:$0x3F6D]  }
0x2d: {  	s3 =	simm.s32 $0x108;
	s8 =	sld [smem:$0x3F6E]  }
0x2e: {  	s3 =	simm.s32 @!p0 $0x1082;
	s9 =	sld [smem:$0x3F6F]  }
0x2f: {  	lr =	sadd.s32 s0, s3;
	s0 =	sld [smem:$0x3F66]  }
0x30: {  	s3 =	sld [smem:$0x3F69]  }
0x31: {  	[smem:$0x3F72] =	sst s10  }
0x32: {  	s10 =	sld [smem:$0x3F70];
	_ =	sdelay $0x3  }
0x33: {  	p0 =	seq.s32 s10, $0x1;
	s10 =	sld [smem:$0x3F72];
	_ =	sdelay $0x3  }
0x34: {  	[smem:$0x3F72] =	sst s10  }
0x35: {  	s10 =	sld [smem:$0x3F71];
	_ =	sdelay $0x3  }
0x36: {  	p1 =	seq.s32 s10, $0x1;
	s10 =	sld [smem:$0x3F72];
	_ =	sdelay $0x3  }
0x37: {  	[smem:$0x3F72] =	sst s10  }
0x38: {  	s10 =	sld [smem:$0x3F73]  }
0x39: {  	_ = 	snop;
	(pc) =	sbr.ind lr, $3  }
0x3a: {  	_ = 	snop  }
0x3b: {  	_ = 	snop  }
0x3c: {  	p2 =	seq.s32 s10, $0x1;
	s10 =	sld [smem:$0x3F72]  }
0x3d: {  	_ =	shalt  }
0x3e: {  	_ =	shalt  }
0x3f: {  	_ =	shalt  }
0x40: {  	_ =	shalt  }
0x41: {  	_ =	shalt  }
0x42: {  	_ =	shalt  }
0x43: {  	_ =	shalt  }
0x44: {  	_ =	shalt  }
0x45: {  	_ =	shalt  }
0x46: {  	_ =	shalt  }
0x47: {  	_ =	shalt  }
0x48: {  	_ =	shalt  }
0x49: {  	_ =	shalt  }
0x4a: {  	_ =	shalt  }
0x4b: {  	_ =	shalt  }
0x4c: {  	_ =	shalt  }
0x4d: {  	_ =	shalt  }
0x4e: {  	_ =	shalt  }
0x4f: {  	_ =	shalt  }
0x50: {  	_ =	shalt  }
0x51: {  	_ =	shalt  }
0x52: {  	_ =	shalt  }
0x53: {  	_ =	shalt  }
0x54: {  	_ =	shalt  }
0x55: {  	_ =	shalt  }
0x56: {  	_ =	shalt  }
0x57: {  	_ =	shalt  }
0x58: {  	_ =	shalt  }
0x59: {  	_ =	shalt  }
0x5a: {  	_ =	shalt  }
0x5b: {  	_ =	shalt  }
0x5c: {  	_ =	shalt  }
0x5d: {  	_ =	shalt  }
0x5e: {  	_ =	shalt  }
0x5f: {  	_ =	shalt  }
0x60: {  	_ =	shalt  }
0x61: {  	_ =	shalt  }
0x62: {  	_ =	shalt  }
0x63: {  	_ =	shalt  }
0x64: {  	_ =	shalt  }
0x65: {  	_ =	shalt  }
0x66: {  	_ =	shalt  }
0x67: {  	_ =	shalt  }
0x68: {  	_ =	shalt  }
0x69: {  	_ =	shalt  }
0x6a: {  	_ =	shalt  }
0x6b: {  	_ =	shalt  }
0x6c: {  	_ =	shalt  }
0x6d: {  	_ =	shalt  }
0x6e: {  	_ =	shalt  }
0x6f: {  	_ =	shalt  }
0x70: {  	_ =	shalt  }
0x71: {  	_ =	shalt  }
0x72: {  	_ =	shalt  }
0x73: {  	_ =	shalt  }
0x74: {  	_ =	shalt  }
0x75: {  	_ =	shalt  }
0x76: {  	_ =	shalt  }
0x77: {  	_ =	shalt  }
0x78: {  	_ =	shalt  }
0x79: {  	_ =	shalt  }
0x7a: {  	_ =	shalt  }
0x7b: {  	_ =	shalt  }
0x7c: {  	_ =	shalt  }
0x7d: {  	_ =	shalt  }
0x7e: {  	_ =	shalt  }
0x7f: {  	_ =	shalt  }
0x80: {  	_ =	shalt  }
0x81: {  	_ =	shalt  }
0x82: {  	_ =	shalt  }
0x83: {  	_ =	shalt  }
0x84: {  	_ =	shalt  }
0x85: {  	_ =	shalt  }
0x86: {  	_ =	shalt  }
0x87: {  	_ =	shalt  }
.Lfunc_end0:
.L_simem_size_0:
called_computation.2_lowered:
.L_overlay_start_0:
0x88: {  	s2 =	sld [smem:$0x3FD9]  }
0x89: {  	s3 =	sld [smem:$0x3FFE];
	_ =	sdelay $0x1  }
0x8a: {  	s1 =	srdreg.scid  }
0x8b: {  	s0 =	sand.u32 $0x1, s1  }
0x8c: {  	s17 =	sshll.u32 s0, $0xA;
	s2 =	sadd.s32 s3, s2  }
0x8d: {  	s2 =	sadd.s32 s2, s17  }
0x8e: {  	[smem:$0x3F7E] =	sst s2  }
0x8f: {  	_ = 	snop  }
0x90: {  	(tm) =	ssettm $0x1  }
0x91: {  	s18 =	sld [smem:$0x3FFB];
	_ =	sdelay $0x3  }
0x92: {  	_ =	strace s18  }
0x93: {  	s2 =	sld [smem:$0x3FFC];
	_ =	sdelay $0x3  }
0x94: {  	_ =	strace s2  }
0x95: {  	s2 =	sld [smem:$0x3FFD];
	_ =	sdelay $0x3  }
0x96: {  	_ =	strace s2  }
0x97: {  	_ =	strace $0x8FFFFFFF  }
0x98: {  	s19 =	sld [smem:$0x3FDB];
	_ =	sdelay $0x1  }
0x99: {  	s20 =	simm.s32 $_scs_section_size  }
0x9a: {  	s4 =	simm.s32 $_size__tile_overlayer_lowered;
	s5 =	simm.s32 $_tile_overlayer_lowered  }
0x9b: {  	s6 =	simm.s32 $0x1BFF;
	s21 =	sshll.u32 s5, $0x1;
	s3 =	sadd.s32 s20, s19  }
0x9c: {  	s22 =	simm.s32 $0x0;
	s4 =	sshll.u32 s4, $0x1;
	s5 =	sadd.s32 s21, s3  }
0x9d: {  	[timem:s22], [sflag:s6] =	dma.local [hbm:s5], s4  }
0x9e: {  	_ =	swait.ge [sflag:s6], s4  }
0x9f: {  	s4 =	ssub.s32 $0x0, s4;
	[sflag:s6] =	ssyncset.done $0x0  }
0xa0: {  	[sflag:s6] =	ssyncadd.s32 s4;
	_ =	sdelay $0x1  }
0xa1: {  	s23 =	simm.s32 $0x1B8B  }
0xa2: {  	_ =	swait.ge [sflag:s23], $0x1  }
0xa3: {  	[sflag:s23] =	ssyncset.done $0x0  }
0xa4: {  	[sflag:s23] =	ssyncadd.s32 $0xFFFFFFFF  }
0xa5: {  	s4 =	sld [smem:$0x0]  }
0xa6: {  	s5 =	sand.u32 $0xFFFFFFFE, s1  }
0xa7: {  	p0 =	sne.s32 s1, s5  }
0xa8: {  	s5 =	sshll.u32 @p0 s5, $0xE  }
0xa9: {  	s5 =	sadd.s32 @p0 $0x11B8D, s5;
	s6 =	sshll.u32 @p0 s4, $0x11  }
0xaa: {  	s5 =	sor.u32 @p0 s6, s5  }
0xab: {  	[sflag:s5] =	ssyncadd.remote.s32 @p0 $0x1;
	_ =	sdelay $0x1  }
0xac: {  	s5 =	simm.s32 @p0 $0x1B8D  }
0xad: {  	_ =	swait.eq @p0 [sflag:s5], $0x1  }
0xae: {  	[sflag:s5] =	ssyncadd.s32 @p0 $0xFFFFFFFF  }
0xaf: {  	s6 =	sshll.u32 @!p0 s1, $0xE  }
0xb0: {  	s6 =	sor.u32 @!p0 $0x4000, s6;
	s5 =	simm.s32 @!p0 $0x1B8D  }
0xb1: {  	s4 =	sshll.u32 @!p0 s4, $0x11;
	s6 =	sadd.s32 @!p0 $0x11B8D, s6;
	_ =	swait.eq @!p0 [sflag:s5], $0x1  }
0xb2: {  	s4 =	sor.u32 @!p0 s4, s6;
	[sflag:s5] =	ssyncadd.s32 @!p0 $0xFFFFFFFF  }
0xb3: {  	s25 =	simm.s32 $0x1B8E;
	s24 =	sld [smem:$0x3FFE];
	[sflag:s4] =	ssyncadd.remote.s32 @!p0 $0x1  }
0xb4: {  	s26 =	simm.s32 $execute0_lowered;
	[smem:$0x3FD2] =	sst s25  }
0xb5: {  	s5 =	sshll.u32 s26, $0x1;
	_ =	strace $0x80000049;
	[dreg:$0x1] =	wrdreg $0xFFFFFFFF  }
0xb6: {  	s28 =	simm.s32 $_size_execute0_lowered;
	s3 =	sadd.s32 s3, s5;
	[dreg:$0x0] =	wrdreg $0x0  }
0xb7: {  	s5 =	sshll.u32 s28, $0x1;
	[dreg:$0x2] =	wrdreg s3  }
0xb8: {  	[dreg:$0x3] =	wrdreg s5  }
0xb9: {  	[dreg:$0x4] =	wrdreg $0xC0  }
0xba: {  	_ =	task [dreg:s22], $0x5FFFF  }
0xbb: {  	[dreg:$0x1] =	wrdreg $0xFFFFFFFF  }
0xbc: {  	[dreg:$0x0] =	wrdreg $0x60  }
0xbd: {  	[dreg:$0x2] =	wrdreg s24  }
0xbe: {  	[dreg:$0x3] =	wrdreg $0xB  }
0xbf: {  	_ =	task.clear_ibuf [dreg:s22], $0x4FFFF;
	_ =	strace $0x90000049  }
0xc0: {  	s29 =	simm.s32 $0xB;
	_ =	strace $0x8000004B  }
0xc1: {  	_ =	swait.ge [sflag:s29], $0x1  }
0xc2: {  	[sflag:s29] =	ssyncadd.s32 $0xFFFFFFFF  }
0xc3: {  	_ =	strace $0x9000004B  }
0xc4: {  	_ =	sfence  }
0xc5: {  	s30 =	sld [smem:$0x0];
	_ =	sdelay $0x2  }
0xc6: {  	s31 =	sshll.u32 s1, $0xD;
	s1 =	sshrl.u32 s1, $0x2  }
0xc7: {  	s4 =	sand.u32 $0x4000, s31;
	s1 =	sadd.s32 s1, s30  }
0xc8: {  	s0 =	sor.u32 s4, s0;
	s1 =	sshll.u32 s1, $0x11  }
0xc9: {  	s0 =	sor.u32 s1, s0  }
0xca: {  	s0 =	sadd.s32 $0x8F2B, s0  }
0xcb: {  	[sflag:s0] =	ssyncadd.remote.s32 $0x1  }
0xcc: {  	_ =	sfence.sel $0xFFFF  }
0xcd: {  	[dreg:$0x0] =	wrdreg $0xFFFFFFFF;
	(pc) =	sbr.abs _section_cstart, $3  }
0xce: {  	[dreg:$0x1] =	wrdreg $0xFFFFFFFF  }
0xcf: {  	_ =	task.clear_ibuf [dreg:s22], $0x2FFFF;
	_ =	strace $0x9FFFFFFF  }
0xd0: {  	(tm) =	ssettm $0x7FFFFFFF  }
0xd1: {  	_ =	shalt  }
tec
execute0_lowered:
.L_overlay_start_1:
0x0: {  	(tag) =	ssettag $0x1  }
0x1: {  	s0 =	srdreg.scid;
	s5 =	rddreg [dreg:$0x0]  }
0x2: {  	s1 =	stileid.u32;
	s6 =	simm.s32 $0x1;
	s9 =	simm.s32 $0x1  }
0x3: {  	s10 =	simm.s32 $0x3;
	s13 =	simm.s32 $0x0;
	s2 =	sshll.u32 s0, $0x8  }
0x4: {  	s12 =	simm.s32 $0x0;
	s3 =	sshll.u32 s1, $0x9;
	s4 =	sand.u32 $0x100, s2  }
0x5: {  	s0 =	rddreg [dreg:$0x1];
	_ =	strace $0x8000004A;
	s3 =	sor.u32 s3, s4  }
0x6: {  	s2 =	sadd.s32 $0x101A00, s5;
	[sflag:s6] =	ssyncpa.u1 $0x0;
	s8 =	ssub.s32 $0x3000, s3  }
.Ltmp0:
0x7: {  	s4 =	sadd.s32 $0x123E00, s5;
	s7 =	sand.u32 $0x1F00, s8;
	(pc) =	sbr.rel .LBB2_1-.Ltmp0, $4  }
0x8: {  	s5 =	sadd.s32 $0x124400, s5;
	s11 =	smov.u32 s3;
	p0 =	sne.s32 s7, $0x0  }
0x9: {  	s8 =	sshrl.u32 s8, $0xD;
	s7 =	simm.s32 $0x2;
	s9 =	simm.s32 @!p0 $0x0  }
0xa: {  	[sflag:s7] =	ssyncpa.u1 $0x0;
	p0 =	por $0x0, $0x0;
	s8 =	sadd.s32 s9, s8  }
0xb: {  	vm0 =	vmmov $0xffff;
	[sflag:s10] =	ssyncpa.u1 $0x0;
	s10 =	simm.s32 $0x0;
	s9 =	sadd.s32 $0x1, s8  }
.LBB2_4:
0xc: {  	v3 =	vshrl.u32 v0, $0xC;
	v62 =	vshll.u32 v0, $0x10;
	v2 =	vand.u32 $0xFF80, v2  }
0xd: {  	v3 =	vand.u32 $0x7F, v3;
	v0 =	vand.u32 $0x70000, v62;
	v2 =	vsel vm1, $0xFFFFFF80, v2  }
0xe: {  	v3 =	vsel vm1, $0xFFFFFFFF, v3;
	v0 =	vsel vm1, $0xFFFF0000, v0;
	v4 =	vand.u32 $0xFFFFFC00, v2  }
0xf: {  	v0 =	vadd.s32 v0, v4;
	v63 =	vand.u32 $0xFFFFFC00, v3  }
0x10: {  	v2 =	vand.u32 $0x380, v2;
	v0 =	vadd.s32 v63, v0  }
0x11: {  	v3 =	vand.u32 $0x7F, v3;
	v0 =	vor.u32 v2, v0  }
0x12: {  	v0 =	vor.u32 v3, v0;
	_ =	sdelay $0x1  }
0x13: {  	(ifvalue) =	ssetifvalue $0x7FFFFFFF;
	s15 =	sadd.s32 $0x10, s15  }
0x14: {  	[tilespmem:s15], [sflag:$0x1] =	stream.indirect_vreg.gather [hbm4b:s2+s10], $0x1, v1, vm0, $0x4038;
	[tilespmem:$0x400] =	vst v63  }
0x15: {  	(ifvalue) =	ssetifvalue $0x7FFFFFFF;
	s15 =	sadd.s32 $0x10, s15  }
0x16: {  	[tilespmem:s15], [sflag:$0x1] =	stream.indirect_vreg.gather [hbm4b:s2+s10], $0x1, v0, vm0, $0x4038;
	[tilespmem:$0x400] =	vst v63  }
0x17: {  	_ =	swait.ge [sflag:s6], $0x100  }
0x18: {  	s30 =	sshrl.u32 s13, $0x3;
	[sflag:s6] =	ssyncset.done $0x0  }
0x19: {  	s31 =	sand.u32 $0x7, s13;
	s15 =	sadd.s32 s5, s30;
	[sflag:s6] =	ssyncadd.s32 $0xFFFFFF00  }
0x1a: {  	[hbm4b:s15+s31] =	stream.linear.scatter [tilespmem:s14], [sflag:$0x3], $0x100, $0x38;
	[tilespmem:$0x400] =	vst v63  }
.LBB2_5:
0x1b: {  	s15 =	sadd.s32 $0x2000, s11  }
0x1c: {  	p2 =	sgt.s32 s15, $0x2FFF  }
0x1d: {  	s15 =	smov.u32 @p2 s3;
	p2 =	sne.s32 s12, s9  }
.Ltmp1:
0x1e: {  	p1 =	slt.u32 s12, $0x2;
	(pc) =	sbr.rel @!p2 .LBB2_6-.Ltmp1, $4  }
0x1f: {  	s14 =	simm.s32 @!p1 $0x3  }
0x20: {  	s16 =	sadd.s32 $0x1, s12;
	_ =	swait.ge @!p1 [sflag:s14], $0x100  }
0x21: {  	s13 =	smov.u32 s11;
	p0 =	por !p0, !p0;
	[sflag:s14] =	ssyncset.done @!p1 $0x0  }
0x22: {  	s12 =	smov.u32 s16;
	s11 =	smov.u32 s15;
	[sflag:s14] =	ssyncadd.s32 @!p1 $0xFFFFFF00  }
.LBB2_1:
0x23: {  	p1 =	sge.u32 s12, s8  }
0x24: {  	s14 =	sxor.u32 @!p1 $0xFFFFFFFF, s12  }
0x25: {  	s31 =	sadd.s32 $0xFFFFFFFF, s12;
	s15 =	sshrl.u32 @!p1 s11, $0x3;
	s14 =	sshll.u32 @!p1 s14, $0x8  }
0x26: {  	s16 =	sand.u32 @!p1 $0x7, s11;
	s15 =	sadd.s32 @!p1 s4, s15;
	s14 =	sand.u32 @!p1 $0x100, s14  }
0x27: {  	[tilespmem:s14], [sflag:$0x2] =	stream.linear.gather @!p1 [hbm4b:s15+s16], $0x100, $0x38;
	[tilespmem:$0x400] =	vst v63  }
0x28: {  	p1 =	sge.u32 s31, s8  }
.Ltmp2:
0x29: {  	_ = 	snop;
	(pc) =	sbr.rel @p1 .LBB2_5-.Ltmp2, $1  }
0x2a: {  	_ =	sdelay $0x3  }
0x2b: {  	s14 =	simm.s32 $0x1  }
0x2c: {  	_ =	swait.ge [sflag:s7], $0x100;
	s14 =	simm.s32 @!p0 $0x0  }
0x2d: {  	[sflag:s7] =	ssyncset.done $0x0;
	s14 =	sshll.u32 s14, $0x8  }
0x2e: {  	[sflag:s7] =	ssyncadd.s32 $0xFFFFFF00;
	(ifvalue) =	ssetifvalue $0x7FFFFFFF;
	v0 =	vld.msk [tilespmem:s14+$0x0 ss:$0x1], $0xffff;
	_ =	sdelay $0x2  }
0x2f: {  	s15 =	sadd.s32 $0x10, s14  }
0x30: {  	v3 =	vld.msk [tilespmem:s15+$0x0 ss:$0x1], $0xffff  }
0x31: {  	vm1 =	veq.s32 v0, $0x80000000;
	v1 =	vshll.u32 v0, $0x4  }
0x32: {  	v2 =	vshrl.u32 v0, $0xC;
	v0 =	vshll.u32 v0, $0x10;
	v1 =	vand.u32 $0xFF80, v1  }
0x33: {  	v2 =	vand.u32 $0x7F, v2;
	v0 =	vand.u32 $0x70000, v0;
	v1 =	vsel vm1, $0xFFFFFF80, v1  }
0x34: {  	v2 =	vsel vm1, $0xFFFFFFFF, v2;
	v0 =	vsel vm1, $0xFFFF0000, v0;
	v4 =	vand.u32 $0xFFFFFC00, v1  }
0x35: {  	v62 =	vshrl.u32 v3, $0xC;
	v61 =	vand.u32 $0xFFFFFC00, v2;
	v0 =	vadd.s32 v0, v4  }
0x36: {  	vm1 =	veq.s32 v3, $0x80000000;
	v1 =	vand.u32 $0x380, v1;
	v0 =	vadd.s32 v61, v0  }
0x37: {  	v2 =	vand.u32 $0x7F, v2;
	v0 =	vor.u32 v1, v0;
	v1 =	vshll.u32 v3, $0x4  }
0x38: {  	s17 =	sadd.s32 $0x10, s15;
	v4 =	vand.u32 $0x7F, v62;
	v3 =	vshll.u32 v3, $0x10;
	v1 =	vand.u32 $0xFF80, v1  }
0x39: {  	v2 =	vor.u32 v2, v0;
	v0 =	vld.msk [tilespmem:s17+$0x0 ss:$0x1], $0xffff;
	v3 =	vand.u32 $0x70000, v3;
	v1 =	vsel vm1, $0xFFFFFF80, v1  }
0x3a: {  	v4 =	vsel vm1, $0xFFFFFFFF, v4;
	v3 =	vsel vm1, $0xFFFF0000, v3;
	v5 =	vand.u32 $0xFFFFFC00, v1  }
0x3b: {  	s31 =	sshll.u32 s12, $0x8;
	v63 =	vand.u32 $0xFFFFFC00, v4;
	v3 =	vadd.s32 v3, v5  }
0x3c: {  	s16 =	simm.s32 $0x20;
	s15 =	sor.u32 $0x200, s14;
	s14 =	sand.u32 $0x100, s31;
	v1 =	vand.u32 $0x380, v1;
	v3 =	vadd.s32 v63, v3  }
0x3d: {  	s14 =	sor.u32 $0x200, s14;
	v4 =	vand.u32 $0x7F, v4;
	(ifvalue) =	ssetifvalue $0x7FFFFFFF;
	s17 =	sadd.s32 $0x10, s17;
	v1 =	vor.u32 v1, v3  }
0x3e: {  	[tilespmem:s15], [sflag:$0x1] =	stream.indirect_vreg.gather [hbm4b:s2+s10], $0x1, v2, vm0, $0x4038;
	vm1 =	veq.s32 v0, $0x80000000;
	v2 =	vshll.u32 v0, $0x4;
	v1 =	vor.u32 v4, v1;
	[tilespmem:$0x400] =	vst v63  }
.LBB2_3:
0x3f: {  	s16 =	sadd.s32 $0x10, s16;
	v3 =	vshrl.u32 v0, $0xC;
	v4 =	vshll.u32 v0, $0x10;
	v0 =	vld.msk [tilespmem:s17+$0x0 ss:$0x1], $0xffff;
	v2 =	vand.u32 $0xFF80, v2  }
0x40: {  	p1 =	slt.u32 s16, $0xF0;
	v3 =	vand.u32 $0x7F, v3;
	v4 =	vand.u32 $0x70000, v4;
	v2 =	vsel vm1, $0xFFFFFF80, v2  }
.Ltmp3:
0x41: {  	v3 =	vsel vm1, $0xFFFFFFFF, v3;
	v4 =	vsel vm1, $0xFFFF0000, v4;
	v5 =	vand.u32 $0xFFFFFC00, v2;
	(pc) =	sbr.rel @p1 .LBB2_3-.Ltmp3, $4  }
0x42: {  	s15 =	sadd.s32 $0x10, s15;
	v4 =	vadd.s32 v4, v5;
	v5 =	vand.u32 $0xFFFFFC00, v3;
	(ifvalue) =	ssetifvalue $0x7FFFFFFF  }
0x43: {  	v2 =	vand.u32 $0x380, v2;
	v4 =	vadd.s32 v5, v4;
	[tilespmem:s15], [sflag:$0x1] =	stream.indirect_vreg.gather [hbm4b:s2+s10], $0x1, v1, vm0, $0x4038;
	[tilespmem:$0x400] =	vst v63  }
0x44: {  	v1 =	vand.u32 $0x7F, v3;
	v3 =	vor.u32 v2, v4  }
0x45: {  	s17 =	sadd.s32 $0x10, s17;
	vm1 =	veq.s32 v0, $0x80000000;
	v2 =	vshll.u32 v0, $0x4;
	v1 =	vor.u32 v1, v3  }
.Ltmp4:
0x46: {  	_ = 	snop;
	(pc) =	sbr.rel .LBB2_4-.Ltmp4, $1  }
0x47: {  	_ =	sdelay $0x3  }
.LBB2_6:
0x48: {  	_ =	sfence.sel $0x180000  }
0x49: {  	s2 =	simm.s32 $0x2;
	[bflag:$0x0] =	sbarrier.arrive $0xFFFF  }
0x4a: {  	s30 =	simm.s32 $0x3;
	[sflag:s2] =	ssyncpa.u1 $0x1  }
0x4b: {  	s31 =	simm.s32 $0x1;
	[sflag:s30] =	ssyncpa.u1 $0x1  }
0x4c: {  	[sflag:s31] =	ssyncpa.u1 $0x1  }
0x4d: {  	p0 =	sne.s32 s1, $0x0;
	_ =	strace $0x9000004A  }
0x4e: {  	s0 =	sadd.s32 @!p0 $0x100000, s0;
	[bflag:$0x2] =	sbarrier.arrive $0xFFFF  }
0x4f: {  	[sflag:s0] =	ssyncadd.tile.s32 @!p0 $0x1;
	_ =	shalt  }
.Lfunc_end2:
_tile_overlayer_lowered:
.L_overlay_start_2:
0x50: {  	(tag) =	ssettag $0x2  }
0x51: {  	s0 =	rddreg [dreg:$0x0];
	s2 =	stileid.u32  }
0x52: {  	s1 =	rddreg [dreg:$0x1];
	p0 =	sne.s32 s2, $0x0  }
0x53: {  	s3 =	rddreg [dreg:$0x2];
	[bflag:$0x3] =	sbarrier.arrive $0xFFFF;
	s2 =	simm.s32 @!p0 $0x1C01  }
0x54: {  	[timem:s3], [sflag:s2] =	dma.local @!p0 [hbm:s0], s1  }
0x55: {  	s0 =	simm.s32 @!p0 $0x1  }
0x56: {  	_ =	swait.ge @!p0 [sflag:s0], s1  }
0x57: {  	s1 =	ssub.s32 @!p0 $0x0, s1;
	[sflag:s0] =	ssyncset.done @!p0 $0x0  }
0x58: {  	[sflag:s0] =	ssyncadd.s32 @!p0 s1  }
0x59: {  	[bflag:$0x3] =	sbarrier.arrive $0xFFFF  }
0x5a: {  	_ =	shalt  }

// kernel: gather_offload_async_start.2
scs
__scs_entry_jumppad:
0x0: {  	(pc) =	sbr.rel $0x88, $3  }
0x1: {  	(tag) =	ssettag $0x0;
	lr =	simm.s32 $0x1  }
0x2: {  	[smem:$0x3F57] =	sst lr;
	_ =	strace $0xD0000000  }
0x3: {  	_ = 	snop  }
0x4: {  	_ = 	snop  }
0x5: {  	_ = 	snop  }
0x6: {  	_ = 	snop  }
0x7: {  	_ = 	snop  }
__scs_overlays_trampoline_lowered:
0x8: {  	[smem:$0x3F66] =	sst s0  }
0x9: {  	[smem:$0x3F67] =	sst s1  }
0xa: {  	[smem:$0x3F68] =	sst s2  }
0xb: {  	[smem:$0x3F69] =	sst s3  }
0xc: {  	[smem:$0x3F6A] =	sst s4  }
0xd: {  	[smem:$0x3F6B] =	sst s5  }
0xe: {  	[smem:$0x3F6C] =	sst s6  }
0xf: {  	[smem:$0x3F6D] =	sst s7  }
0x10: {  	[smem:$0x3F6E] =	sst s8  }
0x11: {  	[smem:$0x3F6F] =	sst s9;
	s0 =	simm.s32 @!p0 $0x0  }
0x12: {  	s1 =	sld [smem:$0x3F55];
	s0 =	simm.s32 @p0 $0x1  }
0x13: {  	[smem:$0x3F70] =	sst s0;
	s0 =	simm.s32 @!p1 $0x0  }
0x14: {  	s2 =	sld [smem:$0x3F54];
	s0 =	simm.s32 @p1 $0x1  }
0x15: {  	[smem:$0x3F71] =	sst s0;
	s0 =	simm.s32 @!p2 $0x0  }
0x16: {  	s3 =	sld [smem:$0x3FDB];
	s0 =	simm.s32 @p2 $0x1  }
0x17: {  	s4 =	simm.s32 $0x1BF5;
	[smem:$0x3F73] =	sst s0  }
0x18: {  	s0 =	sld [smem:$0x3F56];
	_ =	swait.ge [sflag:s4], $0x0  }
0x19: {  	s7 =	sld [smem:$0x3F57]  }
0x1a: {  	s8 =	sadd.s32 $0xFFFFE003, lr  }
0x1b: {  	s9 =	sadd.s32 $0xFFFFFEF7, lr;
	s5 =	simm.s32 $0xFFFFFFFF;
	p2 =	slt.u32 s8, $0xFFFFF086  }
0x1c: {  	p1 =	slt.u32 s9, $0xF7A;
	s5 =	simm.s32 @!p2 $0x0  }
0x1d: {  	s5 =	simm.s32 @p1 $0x1;
	p0 =	seq.s32 s7, s2  }
0x1e: {  	s7 =	smul.u32 @!p0 $0xF7A, s2;
	p2 =	seq.s32 @!p0 s5, $0x0  }
0x1f: {  	s9 =	smul.u32 $0xF7A, s1;
	s8 =	simm.s32 @!p0 $0x1BF5;
	p2 =	por !p2, p0  }
0x20: {  	[sflag:s8] =	ssyncset.s32 @!p0 $0xFFFFF086;
	s6 =	sadd.s32 @!p0 s3, s7;
	s7 =	simm.s32 @!p0 $0x108  }
0x21: {  	s3 =	sadd.s32 s3, s9;
	s6 =	sadd.s32 @!p0 $0x88, s6;
	s7 =	simm.s32 @p2 $0x1082  }
0x22: {  	[simem:s7], [sflag:s8] =	dma.local @!p0 [hbm:s6], $0xF7A  }
0x23: {  	s9 =	sor.u32 $0xD0000000, s2;
	s6 =	simm.s32 $0x108;
	_ =	swait.ge @!p0 [sflag:s8], $0x0  }
0x24: {  	s3 =	sadd.s32 $0x88, s3;
	s6 =	simm.s32 @!p1 $0x1082;
	[sflag:s4] =	ssyncset.s32 $0xFFFFF086  }
0x25: {  	[simem:s6], [sflag:s4] =	dma.local [hbm:s3], $0xF7A  }
0x26: {  	[smem:$0x3F57] =	sst s1;
	(tag) =	ssettag s2;
	_ =	strace s9  }
0x27: {  	s1 =	sld [smem:$0x3F67]  }
0x28: {  	s2 =	sld [smem:$0x3F68]  }
0x29: {  	s4 =	sld [smem:$0x3F6A]  }
0x2a: {  	p0 =	seq.s32 s5, $0x0;
	s5 =	sld [smem:$0x3F6B]  }
0x2b: {  	s6 =	sld [smem:$0x3F6C]  }
0x2c: {  	s7 =	sld [smem:$0x3F6D]  }
0x2d: {  	s3 =	simm.s32 $0x108;
	s8 =	sld [smem:$0x3F6E]  }
0x2e: {  	s3 =	simm.s32 @!p0 $0x1082;
	s9 =	sld [smem:$0x3F6F]  }
0x2f: {  	lr =	sadd.s32 s0, s3;
	s0 =	sld [smem:$0x3F66]  }
0x30: {  	s3 =	sld [smem:$0x3F69]  }
0x31: {  	[smem:$0x3F72] =	sst s10  }
0x32: {  	s10 =	sld [smem:$0x3F70];
	_ =	sdelay $0x3  }
0x33: {  	p0 =	seq.s32 s10, $0x1;
	s10 =	sld [smem:$0x3F72];
	_ =	sdelay $0x3  }
0x34: {  	[smem:$0x3F72] =	sst s10  }
0x35: {  	s10 =	sld [smem:$0x3F71];
	_ =	sdelay $0x3  }
0x36: {  	p1 =	seq.s32 s10, $0x1;
	s10 =	sld [smem:$0x3F72];
	_ =	sdelay $0x3  }
0x37: {  	[smem:$0x3F72] =	sst s10  }
0x38: {  	s10 =	sld [smem:$0x3F73]  }
0x39: {  	_ = 	snop;
	(pc) =	sbr.ind lr, $3  }
0x3a: {  	_ = 	snop  }
0x3b: {  	_ = 	snop  }
0x3c: {  	p2 =	seq.s32 s10, $0x1;
	s10 =	sld [smem:$0x3F72]  }
0x3d: {  	_ =	shalt  }
0x3e: {  	_ =	shalt  }
0x3f: {  	_ =	shalt  }
0x40: {  	_ =	shalt  }
0x41: {  	_ =	shalt  }
0x42: {  	_ =	shalt  }
0x43: {  	_ =	shalt  }
0x44: {  	_ =	shalt  }
0x45: {  	_ =	shalt  }
0x46: {  	_ =	shalt  }
0x47: {  	_ =	shalt  }
0x48: {  	_ =	shalt  }
0x49: {  	_ =	shalt  }
0x4a: {  	_ =	shalt  }
0x4b: {  	_ =	shalt  }
0x4c: {  	_ =	shalt  }
0x4d: {  	_ =	shalt  }
0x4e: {  	_ =	shalt  }
0x4f: {  	_ =	shalt  }
0x50: {  	_ =	shalt  }
0x51: {  	_ =	shalt  }
0x52: {  	_ =	shalt  }
0x53: {  	_ =	shalt  }
0x54: {  	_ =	shalt  }
0x55: {  	_ =	shalt  }
0x56: {  	_ =	shalt  }
0x57: {  	_ =	shalt  }
0x58: {  	_ =	shalt  }
0x59: {  	_ =	shalt  }
0x5a: {  	_ =	shalt  }
0x5b: {  	_ =	shalt  }
0x5c: {  	_ =	shalt  }
0x5d: {  	_ =	shalt  }
0x5e: {  	_ =	shalt  }
0x5f: {  	_ =	shalt  }
0x60: {  	_ =	shalt  }
0x61: {  	_ =	shalt  }
0x62: {  	_ =	shalt  }
0x63: {  	_ =	shalt  }
0x64: {  	_ =	shalt  }
0x65: {  	_ =	shalt  }
0x66: {  	_ =	shalt  }
0x67: {  	_ =	shalt  }
0x68: {  	_ =	shalt  }
0x69: {  	_ =	shalt  }
0x6a: {  	_ =	shalt  }
0x6b: {  	_ =	shalt  }
0x6c: {  	_ =	shalt  }
0x6d: {  	_ =	shalt  }
0x6e: {  	_ =	shalt  }
0x6f: {  	_ =	shalt  }
0x70: {  	_ =	shalt  }
0x71: {  	_ =	shalt  }
0x72: {  	_ =	shalt  }
0x73: {  	_ =	shalt  }
0x74: {  	_ =	shalt  }
0x75: {  	_ =	shalt  }
0x76: {  	_ =	shalt  }
0x77: {  	_ =	shalt  }
0x78: {  	_ =	shalt  }
0x79: {  	_ =	shalt  }
0x7a: {  	_ =	shalt  }
0x7b: {  	_ =	shalt  }
0x7c: {  	_ =	shalt  }
0x7d: {  	_ =	shalt  }
0x7e: {  	_ =	shalt  }
0x7f: {  	_ =	shalt  }
0x80: {  	_ =	shalt  }
0x81: {  	_ =	shalt  }
0x82: {  	_ =	shalt  }
0x83: {  	_ =	shalt  }
0x84: {  	_ =	shalt  }
0x85: {  	_ =	shalt  }
0x86: {  	_ =	shalt  }
0x87: {  	_ =	shalt  }
.Lfunc_end0:
.L_simem_size_0:
called_computation.3_lowered:
.L_overlay_start_0:
0x88: {  	s2 =	sld [smem:$0x3FD9]  }
0x89: {  	s3 =	sld [smem:$0x3FFE];
	_ =	sdelay $0x1  }
0x8a: {  	s1 =	srdreg.scid  }
0x8b: {  	s0 =	sand.u32 $0x1, s1  }
0x8c: {  	s17 =	sshll.u32 s0, $0xA;
	s2 =	sadd.s32 s3, s2  }
0x8d: {  	s2 =	sadd.s32 s2, s17  }
0x8e: {  	[smem:$0x3F7E] =	sst s2  }
0x8f: {  	_ = 	snop  }
0x90: {  	s2 =	sld [smem:$0x3FD0];
	(tm) =	ssettm $0x1  }
0x91: {  	s18 =	sld [smem:$0x3FFB];
	_ =	sdelay $0x3  }
0x92: {  	_ =	strace s18  }
0x93: {  	s3 =	sld [smem:$0x3FFC];
	_ =	sdelay $0x3  }
0x94: {  	_ =	strace s3  }
0x95: {  	s3 =	sld [smem:$0x3FFD];
	_ =	sdelay $0x3  }
0x96: {  	_ =	strace s3  }
0x97: {  	_ =	strace $0x8FFFFFFF  }
0x98: {  	s19 =	sld [smem:$0x3FDB];
	_ =	sdelay $0x1  }
0x99: {  	s4 =	simm.s32 $_scs_section_size  }
0x9a: {  	s5 =	simm.s32 $_size__tile_overlayer_lowered;
	s6 =	simm.s32 $_tile_overlayer_lowered  }
0x9b: {  	s22 =	simm.s32 $0x1BFF;
	s21 =	sshll.u32 s6, $0x1;
	s3 =	sadd.s32 s4, s19  }
0x9c: {  	s7 =	simm.s32 $0x0;
	s20 =	sshll.u32 s5, $0x1;
	s5 =	sadd.s32 s21, s3  }
0x9d: {  	[timem:s7], [sflag:s22] =	dma.local [hbm:s5], s20  }
0x9e: {  	_ =	swait.ge [sflag:s22], s20  }
0x9f: {  	s4 =	ssub.s32 $0x0, s20;
	[sflag:s22] =	ssyncset.done $0x0  }
0xa0: {  	[sflag:s22] =	ssyncadd.s32 s4;
	_ =	sdelay $0x1  }
0xa1: {  	s23 =	simm.s32 $0x1B8B  }
0xa2: {  	_ =	swait.ge [sflag:s23], $0x1  }
0xa3: {  	[sflag:s23] =	ssyncset.done $0x0  }
0xa4: {  	s25 =	simm.s32 $0x1B8E;
	s24 =	sld [smem:$0x3FFE];
	[sflag:s23] =	ssyncadd.s32 $0xFFFFFFFF  }
0xa5: {  	s26 =	simm.s32 $execute0_lowered;
	[smem:$0x3FD2] =	sst s25  }
0xa6: {  	s5 =	sshll.u32 s26, $0x1;
	_ =	strace $0x8000004F;
	[dreg:$0x1] =	wrdreg $0xFFFFFFFF  }
0xa7: {  	s28 =	simm.s32 $_size_execute0_lowered;
	s3 =	sadd.s32 s3, s5;
	[dreg:$0x0] =	wrdreg $0x0  }
0xa8: {  	s5 =	sshll.u32 s28, $0x1;
	[dreg:$0x2] =	wrdreg s3  }
0xa9: {  	[dreg:$0x3] =	wrdreg s5  }
0xaa: {  	[dreg:$0x4] =	wrdreg $0xC0  }
0xab: {  	_ =	task [dreg:s7], $0x5FFFF  }
0xac: {  	[dreg:$0x1] =	wrdreg $0xFFFFFFFF  }
0xad: {  	[dreg:$0x0] =	wrdreg $0x60  }
0xae: {  	[dreg:$0x2] =	wrdreg s24  }
0xaf: {  	[dreg:$0x3] =	wrdreg s2  }
0xb0: {  	[dreg:$0x4] =	wrdreg $0x9  }
0xb1: {  	_ =	task.clear_ibuf [dreg:s7], $0x5FFFF;
	_ =	strace $0x9000004F  }
0xb2: {  	s29 =	simm.s32 $0x9;
	_ =	strace $0x80000051  }
0xb3: {  	_ =	swait.ge [sflag:s29], $0x1  }
0xb4: {  	[sflag:s29] =	ssyncadd.s32 $0xFFFFFFFF  }
0xb5: {  	_ =	strace $0x90000051  }
0xb6: {  	_ =	sfence  }
0xb7: {  	s30 =	sld [smem:$0x0];
	_ =	sdelay $0x2  }
0xb8: {  	s31 =	sshll.u32 s1, $0xD;
	s1 =	sshrl.u32 s1, $0x2  }
0xb9: {  	s3 =	sand.u32 $0x4000, s31;
	s1 =	sadd.s32 s1, s30  }
0xba: {  	s0 =	sor.u32 s3, s0;
	s1 =	sshll.u32 s1, $0x11  }
0xbb: {  	s0 =	sor.u32 s1, s0  }
0xbc: {  	s0 =	sadd.s32 $0x8F2B, s0  }
0xbd: {  	[sflag:s0] =	ssyncadd.remote.s32 $0x1  }
0xbe: {  	_ =	sfence.sel $0xFFFF  }
0xbf: {  	[dreg:$0x0] =	wrdreg $0xFFFFFFFF;
	(pc) =	sbr.abs _section_cstart, $3  }
0xc0: {  	[dreg:$0x1] =	wrdreg $0xFFFFFFFF  }
0xc1: {  	_ =	task.clear_ibuf [dreg:s7], $0x2FFFF;
	_ =	strace $0x9FFFFFFF  }
0xc2: {  	(tm) =	ssettm $0x7FFFFFFF  }
0xc3: {  	_ =	shalt  }
tec
execute0_lowered:
.L_overlay_start_1:
0x0: {  	(tag) =	ssettag $0x1  }
0x1: {  	s1 =	srdreg.scid;
	s5 =	rddreg [dreg:$0x0]  }
0x2: {  	s0 =	stileid.u32;
	s2 =	rddreg [dreg:$0x1];
	s6 =	simm.s32 $0x1  }
0x3: {  	s9 =	simm.s32 $0x1;
	s10 =	simm.s32 $0x3;
	s1 =	sshll.u32 s1, $0xA  }
0x4: {  	s13 =	simm.s32 $0x0;
	s3 =	sshll.u32 s0, $0xB;
	s4 =	sand.u32 $0x400, s1  }
0x5: {  	s12 =	simm.s32 $0x0;
	s1 =	rddreg [dreg:$0x2];
	s3 =	sor.u32 s3, s4  }
0x6: {  	_ =	strace $0x80000050;
	s4 =	sadd.s32 $0x1A00, s5;
	s8 =	ssub.s32 $0xC000, s3  }
.Ltmp0:
0x7: {  	s5 =	sadd.s32 $0x101A00, s5;
	s7 =	sand.u32 $0x7C00, s8;
	(pc) =	sbr.rel .LBB2_1-.Ltmp0, $4  }
0x8: {  	[sflag:s6] =	ssyncpa.u1 $0x0;
	s11 =	smov.u32 s3;
	p0 =	sne.s32 s7, $0x0  }
0x9: {  	s8 =	sshrl.u32 s8, $0xF;
	s7 =	simm.s32 $0x2;
	s9 =	simm.s32 @!p0 $0x0  }
0xa: {  	[sflag:s7] =	ssyncpa.u1 $0x0;
	p0 =	por $0x0, $0x0;
	s8 =	sadd.s32 s9, s8  }
0xb: {  	vm0 =	vmmov $0xffff;
	[sflag:s10] =	ssyncpa.u1 $0x0;
	s10 =	simm.s32 $0x0;
	s9 =	sadd.s32 $0x1, s8  }
.LBB2_4:
0xc: {  	v3 =	vshrl.u32 v0, $0x3;
	v4 =	vshrl.u32 v0, $0xE;
	v1 =	vor.u32 v1, v2  }
0xd: {  	v62 =	vshll.u32 v0, $0x14;
	v60 =	vand.u32 $0x7FF, v3;
	v61 =	vand.u32 $0x1FF, v4  }
0xe: {  	v0 =	vand.u32 $0x700000, v62;
	v2 =	vsel vm1, $0xFFFFFFFF, v60;
	v3 =	vsel vm1, $0xFFFFFFFF, v61  }
0xf: {  	v0 =	vsel vm1, $0xFFF00000, v0;
	v63 =	vand.u32 $0x7F, v3;
	v5 =	vshll.u32 v2, $0x9  }
0x10: {  	v3 =	vshll.u32 v3, $0x3;
	v5 =	vand.u32 $0xFFFFF000, v5;
	v0 =	vor.u32 v0, v63  }
0x11: {  	v2 =	vshll.u32 v2, $0x7;
	v3 =	vand.u32 $0xFFFFFC00, v3;
	v0 =	vadd.s32 v5, v0  }
0x12: {  	v2 =	vand.u32 $0x380, v2;
	v0 =	vadd.s32 v3, v0  }
0x13: {  	v0 =	vor.u32 v2, v0;
	_ =	sdelay $0x1  }
0x14: {  	(ifvalue) =	ssetifvalue $0x7FFFFFFF;
	s14 =	sadd.s32 $0x10, s14  }
0x15: {  	[tilespmem:s14], [sflag:$0x1] =	stream.indirect_vreg.gather [hbm4b:s4+s10], $0x1, v1, vm0, $0x4038;
	[tilespmem:$0x1000] =	vst v63  }
0x16: {  	(ifvalue) =	ssetifvalue $0x7FFFFFFF;
	s14 =	sadd.s32 $0x10, s14  }
0x17: {  	[tilespmem:s14], [sflag:$0x1] =	stream.indirect_vreg.gather [hbm4b:s4+s10], $0x1, v0, vm0, $0x4038;
	[tilespmem:$0x1000] =	vst v63  }
0x18: {  	_ =	swait.ge [sflag:s6], $0x400  }
0x19: {  	s30 =	sshrl.u32 s13, $0x3;
	[sflag:s6] =	ssyncset.done $0x0  }
0x1a: {  	s31 =	sand.u32 $0x7, s13;
	s14 =	sadd.s32 s5, s30;
	[sflag:s6] =	ssyncadd.s32 $0xFFFFFC00  }
0x1b: {  	[hbm4b:s14+s31] =	stream.linear.scatter [tilespmem:s15], [sflag:$0x3], $0x400, $0x38;
	[tilespmem:$0x1000] =	vst v63  }
.LBB2_5:
0x1c: {  	s15 =	sadd.s32 $0x8000, s11  }
0x1d: {  	p2 =	sgt.s32 s15, $0xBFFF  }
0x1e: {  	s15 =	smov.u32 @p2 s3;
	p2 =	sne.s32 s12, s9  }
.Ltmp1:
0x1f: {  	p1 =	slt.u32 s12, $0x2;
	(pc) =	sbr.rel @!p2 .LBB2_6-.Ltmp1, $4  }
0x20: {  	s14 =	simm.s32 @!p1 $0x3  }
0x21: {  	s16 =	sadd.s32 $0x1, s12;
	_ =	swait.ge @!p1 [sflag:s14], $0x400  }
0x22: {  	s13 =	smov.u32 s11;
	p0 =	por !p0, !p0;
	[sflag:s14] =	ssyncset.done @!p1 $0x0  }
0x23: {  	s12 =	smov.u32 s16;
	s11 =	smov.u32 s15;
	[sflag:s14] =	ssyncadd.s32 @!p1 $0xFFFFFC00  }
.LBB2_1:
0x24: {  	p1 =	sge.u32 s12, s8  }
0x25: {  	s14 =	sxor.u32 @!p1 $0xFFFFFFFF, s12  }
0x26: {  	s31 =	sadd.s32 $0xFFFFFFFF, s12;
	s15 =	sshrl.u32 @!p1 s11, $0x3;
	s14 =	sshll.u32 @!p1 s14, $0xA  }
0x27: {  	s16 =	sand.u32 @!p1 $0x7, s11;
	s15 =	sadd.s32 @!p1 s2, s15;
	s14 =	sand.u32 @!p1 $0x400, s14  }
0x28: {  	[tilespmem:s14], [sflag:$0x2] =	stream.linear.gather @!p1 [hbm4b:s15+s16], $0x400, $0x38;
	[tilespmem:$0x1000] =	vst v63  }
0x29: {  	p1 =	sge.u32 s31, s8  }
.Ltmp2:
0x2a: {  	_ = 	snop;
	(pc) =	sbr.rel @p1 .LBB2_5-.Ltmp2, $1  }
0x2b: {  	_ =	sdelay $0x3  }
0x2c: {  	s14 =	simm.s32 $0x1  }
0x2d: {  	_ =	swait.ge [sflag:s7], $0x400;
	s14 =	simm.s32 @!p0 $0x0  }
0x2e: {  	[sflag:s7] =	ssyncset.done $0x0;
	s14 =	sshll.u32 s14, $0xA  }
0x2f: {  	[sflag:s7] =	ssyncadd.s32 $0xFFFFFC00;
	(ifvalue) =	ssetifvalue $0x7FFFFFFF;
	v0 =	vld.msk [tilespmem:s14+$0x0 ss:$0x1], $0xffff;
	_ =	sdelay $0x4  }
0x30: {  	s15 =	sadd.s32 $0x10, s14;
	vm1 =	veq.s32 v0, $0x80000000;
	v1 =	vshrl.u32 v0, $0x3;
	v2 =	vshrl.u32 v0, $0xE  }
0x31: {  	v3 =	vld.msk [tilespmem:s15+$0x0 ss:$0x1], $0xffff;
	v0 =	vshll.u32 v0, $0x14;
	v1 =	vand.u32 $0x7FF, v1;
	v2 =	vand.u32 $0x1FF, v2  }
0x32: {  	v0 =	vand.u32 $0x700000, v0;
	v1 =	vsel vm1, $0xFFFFFFFF, v1;
	v2 =	vsel vm1, $0xFFFFFFFF, v2  }
0x33: {  	v0 =	vsel vm1, $0xFFF00000, v0;
	v4 =	vand.u32 $0x7F, v2;
	v5 =	vshll.u32 v1, $0x9  }
0x34: {  	v2 =	vshll.u32 v2, $0x3;
	v5 =	vand.u32 $0xFFFFF000, v5;
	v0 =	vor.u32 v0, v4  }
0x35: {  	v1 =	vshll.u32 v1, $0x7;
	v2 =	vand.u32 $0xFFFFFC00, v2;
	v0 =	vadd.s32 v5, v0  }
0x36: {  	v62 =	vshrl.u32 v3, $0xE;
	v1 =	vand.u32 $0x380, v1;
	v0 =	vadd.s32 v2, v0  }
0x37: {  	s17 =	sadd.s32 $0x10, s15;
	vm1 =	veq.s32 v3, $0x80000000;
	v2 =	vshrl.u32 v3, $0x3;
	v1 =	vor.u32 v1, v0  }
0x38: {  	v4 =	vand.u32 $0x1FF, v62;
	v3 =	vshll.u32 v3, $0x14;
	v0 =	vld.msk [tilespmem:s17+$0x0 ss:$0x1], $0xffff;
	v2 =	vand.u32 $0x7FF, v2  }
0x39: {  	v4 =	vsel vm1, $0xFFFFFFFF, v4;
	v3 =	vand.u32 $0x700000, v3;
	v2 =	vsel vm1, $0xFFFFFFFF, v2  }
0x3a: {  	s31 =	sshll.u32 s12, $0xA;
	v63 =	vand.u32 $0x7F, v4;
	v3 =	vsel vm1, $0xFFF00000, v3;
	v6 =	vshll.u32 v2, $0x9  }
0x3b: {  	s14 =	sor.u32 $0x800, s14;
	s15 =	sand.u32 $0x400, s31;
	v4 =	vshll.u32 v4, $0x3;
	(ifvalue) =	ssetifvalue $0x7FFFFFFF;
	v3 =	vor.u32 v3, v63;
	v6 =	vand.u32 $0xFFFFF000, v6  }
0x3c: {  	v4 =	vand.u32 $0xFFFFFC00, v4;
	[tilespmem:s14], [sflag:$0x1] =	stream.indirect_vreg.gather [hbm4b:s4+s10], $0x1, v1, vm0, $0x4038;
	v1 =	vshll.u32 v2, $0x7;
	v2 =	vadd.s32 v6, v3;
	[tilespmem:$0x1000] =	vst v63  }
0x3d: {  	s16 =	simm.s32 $0x20;
	s15 =	sor.u32 $0x800, s15;
	s17 =	sadd.s32 $0x10, s17;
	vm1 =	veq.s32 v0, $0x80000000;
	v1 =	vand.u32 $0x380, v1;
	v2 =	vadd.s32 v4, v2  }
.LBB2_3:
0x3e: {  	v3 =	vld.msk [tilespmem:s17+$0x0 ss:$0x1], $0xffff;
	v4 =	vshrl.u32 v0, $0x3;
	v5 =	vshrl.u32 v0, $0xE;
	v1 =	vor.u32 v1, v2;
	s16 =	sadd.s32 $0x10, s16  }
0x3f: {  	v0 =	vshll.u32 v0, $0x14;
	v2 =	vand.u32 $0x7FF, v4;
	v4 =	vand.u32 $0x1FF, v5;
	p1 =	slt.u32 s16, $0x3F0  }
.Ltmp3:
0x40: {  	v0 =	vand.u32 $0x700000, v0;
	v2 =	vsel vm1, $0xFFFFFFFF, v2;
	v4 =	vsel vm1, $0xFFFFFFFF, v4;
	(pc) =	sbr.rel @p1 .LBB2_3-.Ltmp3, $4  }
0x41: {  	v0 =	vsel vm1, $0xFFF00000, v0;
	v5 =	vand.u32 $0x7F, v4;
	v6 =	vshll.u32 v2, $0x9  }
0x42: {  	s14 =	sadd.s32 $0x10, s14;
	v4 =	vshll.u32 v4, $0x3;
	v6 =	vand.u32 $0xFFFFF000, v6;
	v7 =	vor.u32 v0, v5;
	(ifvalue) =	ssetifvalue $0x7FFFFFFF  }
0x43: {  	v2 =	vshll.u32 v2, $0x7;
	v4 =	vand.u32 $0xFFFFFC00, v4;
	v5 =	vadd.s32 v6, v7;
	[tilespmem:s14], [sflag:$0x1] =	stream.indirect_vreg.gather [hbm4b:s4+s10], $0x1, v1, vm0, $0x4038;
	[tilespmem:$0x1000] =	vst v63  }
0x44: {  	s17 =	sadd.s32 $0x10, s17;
	vm1 =	veq.s32 v3, $0x80000000;
	v1 =	vand.u32 $0x380, v2;
	v0 =	vmovc v3;
	v2 =	vadd.s32 v4, v5  }
.Ltmp4:
0x45: {  	_ = 	snop;
	(pc) =	sbr.rel .LBB2_4-.Ltmp4, $1  }
0x46: {  	_ =	sdelay $0x3  }
.LBB2_6:
0x47: {  	_ =	sfence.sel $0x180000  }
0x48: {  	s2 =	simm.s32 $0x2;
	[bflag:$0x0] =	sbarrier.arrive $0xFFFF  }
0x49: {  	s30 =	simm.s32 $0x3;
	[sflag:s2] =	ssyncpa.u1 $0x1  }
0x4a: {  	s31 =	simm.s32 $0x1;
	[sflag:s30] =	ssyncpa.u1 $0x1  }
0x4b: {  	[sflag:s31] =	ssyncpa.u1 $0x1  }
0x4c: {  	p0 =	sne.s32 s0, $0x0;
	_ =	strace $0x90000050  }
0x4d: {  	s0 =	sadd.s32 @!p0 $0x100000, s1;
	[bflag:$0x2] =	sbarrier.arrive $0xFFFF  }
0x4e: {  	[sflag:s0] =	ssyncadd.tile.s32 @!p0 $0x1;
	_ =	shalt  }
.Lfunc_end2:
_tile_overlayer_lowered:
.L_overlay_start_2:
0x4f: {  	(tag) =	ssettag $0x2  }
0x50: {  	s0 =	rddreg [dreg:$0x0];
	s2 =	stileid.u32  }
0x51: {  	s1 =	rddreg [dreg:$0x1];
	p0 =	sne.s32 s2, $0x0  }
0x52: {  	s3 =	rddreg [dreg:$0x2];
	[bflag:$0x3] =	sbarrier.arrive $0xFFFF;
	s2 =	simm.s32 @!p0 $0x1C01  }
0x53: {  	[timem:s3], [sflag:s2] =	dma.local @!p0 [hbm:s0], s1  }
0x54: {  	s0 =	simm.s32 @!p0 $0x1  }
0x55: {  	_ =	swait.ge @!p0 [sflag:s0], s1  }
0x56: {  	s1 =	ssub.s32 @!p0 $0x0, s1;
	[sflag:s0] =	ssyncset.done @!p0 $0x0  }
0x57: {  	[sflag:s0] =	ssyncadd.s32 @!p0 s1  }
0x58: {  	[bflag:$0x3] =	sbarrier.arrive $0xFFFF  }
0x59: {  	_ =	shalt  }

// kernel: gather_offload_async_start
scs
__scs_entry_jumppad:
0x0: {  	(pc) =	sbr.rel $0x88, $3  }
0x1: {  	(tag) =	ssettag $0x0;
	lr =	simm.s32 $0x1  }
0x2: {  	[smem:$0x3F57] =	sst lr;
	_ =	strace $0xD0000000  }
0x3: {  	_ = 	snop  }
0x4: {  	_ = 	snop  }
0x5: {  	_ = 	snop  }
0x6: {  	_ = 	snop  }
0x7: {  	_ = 	snop  }
__scs_overlays_trampoline_lowered:
0x8: {  	[smem:$0x3F66] =	sst s0  }
0x9: {  	[smem:$0x3F67] =	sst s1  }
0xa: {  	[smem:$0x3F68] =	sst s2  }
0xb: {  	[smem:$0x3F69] =	sst s3  }
0xc: {  	[smem:$0x3F6A] =	sst s4  }
0xd: {  	[smem:$0x3F6B] =	sst s5  }
0xe: {  	[smem:$0x3F6C] =	sst s6  }
0xf: {  	[smem:$0x3F6D] =	sst s7  }
0x10: {  	[smem:$0x3F6E] =	sst s8  }
0x11: {  	[smem:$0x3F6F] =	sst s9;
	s0 =	simm.s32 @!p0 $0x0  }
0x12: {  	s1 =	sld [smem:$0x3F55];
	s0 =	simm.s32 @p0 $0x1  }
0x13: {  	[smem:$0x3F70] =	sst s0;
	s0 =	simm.s32 @!p1 $0x0  }
0x14: {  	s2 =	sld [smem:$0x3F54];
	s0 =	simm.s32 @p1 $0x1  }
0x15: {  	[smem:$0x3F71] =	sst s0;
	s0 =	simm.s32 @!p2 $0x0  }
0x16: {  	s3 =	sld [smem:$0x3FDB];
	s0 =	simm.s32 @p2 $0x1  }
0x17: {  	s4 =	simm.s32 $0x1BF5;
	[smem:$0x3F73] =	sst s0  }
0x18: {  	s0 =	sld [smem:$0x3F56];
	_ =	swait.ge [sflag:s4], $0x0  }
0x19: {  	s7 =	sld [smem:$0x3F57]  }
0x1a: {  	s8 =	sadd.s32 $0xFFFFE003, lr  }
0x1b: {  	s9 =	sadd.s32 $0xFFFFFEF7, lr;
	s5 =	simm.s32 $0xFFFFFFFF;
	p2 =	slt.u32 s8, $0xFFFFF086  }
0x1c: {  	p1 =	slt.u32 s9, $0xF7A;
	s5 =	simm.s32 @!p2 $0x0  }
0x1d: {  	s5 =	simm.s32 @p1 $0x1;
	p0 =	seq.s32 s7, s2  }
0x1e: {  	s7 =	smul.u32 @!p0 $0xF7A, s2;
	p2 =	seq.s32 @!p0 s5, $0x0  }
0x1f: {  	s9 =	smul.u32 $0xF7A, s1;
	s8 =	simm.s32 @!p0 $0x1BF5;
	p2 =	por !p2, p0  }
0x20: {  	[sflag:s8] =	ssyncset.s32 @!p0 $0xFFFFF086;
	s6 =	sadd.s32 @!p0 s3, s7;
	s7 =	simm.s32 @!p0 $0x108  }
0x21: {  	s3 =	sadd.s32 s3, s9;
	s6 =	sadd.s32 @!p0 $0x88, s6;
	s7 =	simm.s32 @p2 $0x1082  }
0x22: {  	[simem:s7], [sflag:s8] =	dma.local @!p0 [hbm:s6], $0xF7A  }
0x23: {  	s9 =	sor.u32 $0xD0000000, s2;
	s6 =	simm.s32 $0x108;
	_ =	swait.ge @!p0 [sflag:s8], $0x0  }
0x24: {  	s3 =	sadd.s32 $0x88, s3;
	s6 =	simm.s32 @!p1 $0x1082;
	[sflag:s4] =	ssyncset.s32 $0xFFFFF086  }
0x25: {  	[simem:s6], [sflag:s4] =	dma.local [hbm:s3], $0xF7A  }
0x26: {  	[smem:$0x3F57] =	sst s1;
	(tag) =	ssettag s2;
	_ =	strace s9  }
0x27: {  	s1 =	sld [smem:$0x3F67]  }
0x28: {  	s2 =	sld [smem:$0x3F68]  }
0x29: {  	s4 =	sld [smem:$0x3F6A]  }
0x2a: {  	p0 =	seq.s32 s5, $0x0;
	s5 =	sld [smem:$0x3F6B]  }
0x2b: {  	s6 =	sld [smem:$0x3F6C]  }
0x2c: {  	s7 =	sld [smem:$0x3F6D]  }
0x2d: {  	s3 =	simm.s32 $0x108;
	s8 =	sld [smem:$0x3F6E]  }
0x2e: {  	s3 =	simm.s32 @!p0 $0x1082;
	s9 =	sld [smem:$0x3F6F]  }
0x2f: {  	lr =	sadd.s32 s0, s3;
	s0 =	sld [smem:$0x3F66]  }
0x30: {  	s3 =	sld [smem:$0x3F69]  }
0x31: {  	[smem:$0x3F72] =	sst s10  }
0x32: {  	s10 =	sld [smem:$0x3F70];
	_ =	sdelay $0x3  }
0x33: {  	p0 =	seq.s32 s10, $0x1;
	s10 =	sld [smem:$0x3F72];
	_ =	sdelay $0x3  }
0x34: {  	[smem:$0x3F72] =	sst s10  }
0x35: {  	s10 =	sld [smem:$0x3F71];
	_ =	sdelay $0x3  }
0x36: {  	p1 =	seq.s32 s10, $0x1;
	s10 =	sld [smem:$0x3F72];
	_ =	sdelay $0x3  }
0x37: {  	[smem:$0x3F72] =	sst s10  }
0x38: {  	s10 =	sld [smem:$0x3F73]  }
0x39: {  	_ = 	snop;
	(pc) =	sbr.ind lr, $3  }
0x3a: {  	_ = 	snop  }
0x3b: {  	_ = 	snop  }
0x3c: {  	p2 =	seq.s32 s10, $0x1;
	s10 =	sld [smem:$0x3F72]  }
0x3d: {  	_ =	shalt  }
0x3e: {  	_ =	shalt  }
0x3f: {  	_ =	shalt  }
0x40: {  	_ =	shalt  }
0x41: {  	_ =	shalt  }
0x42: {  	_ =	shalt  }
0x43: {  	_ =	shalt  }
0x44: {  	_ =	shalt  }
0x45: {  	_ =	shalt  }
0x46: {  	_ =	shalt  }
0x47: {  	_ =	shalt  }
0x48: {  	_ =	shalt  }
0x49: {  	_ =	shalt  }
0x4a: {  	_ =	shalt  }
0x4b: {  	_ =	shalt  }
0x4c: {  	_ =	shalt  }
0x4d: {  	_ =	shalt  }
0x4e: {  	_ =	shalt  }
0x4f: {  	_ =	shalt  }
0x50: {  	_ =	shalt  }
0x51: {  	_ =	shalt  }
0x52: {  	_ =	shalt  }
0x53: {  	_ =	shalt  }
0x54: {  	_ =	shalt  }
0x55: {  	_ =	shalt  }
0x56: {  	_ =	shalt  }
0x57: {  	_ =	shalt  }
0x58: {  	_ =	shalt  }
0x59: {  	_ =	shalt  }
0x5a: {  	_ =	shalt  }
0x5b: {  	_ =	shalt  }
0x5c: {  	_ =	shalt  }
0x5d: {  	_ =	shalt  }
0x5e: {  	_ =	shalt  }
0x5f: {  	_ =	shalt  }
0x60: {  	_ =	shalt  }
0x61: {  	_ =	shalt  }
0x62: {  	_ =	shalt  }
0x63: {  	_ =	shalt  }
0x64: {  	_ =	shalt  }
0x65: {  	_ =	shalt  }
0x66: {  	_ =	shalt  }
0x67: {  	_ =	shalt  }
0x68: {  	_ =	shalt  }
0x69: {  	_ =	shalt  }
0x6a: {  	_ =	shalt  }
0x6b: {  	_ =	shalt  }
0x6c: {  	_ =	shalt  }
0x6d: {  	_ =	shalt  }
0x6e: {  	_ =	shalt  }
0x6f: {  	_ =	shalt  }
0x70: {  	_ =	shalt  }
0x71: {  	_ =	shalt  }
0x72: {  	_ =	shalt  }
0x73: {  	_ =	shalt  }
0x74: {  	_ =	shalt  }
0x75: {  	_ =	shalt  }
0x76: {  	_ =	shalt  }
0x77: {  	_ =	shalt  }
0x78: {  	_ =	shalt  }
0x79: {  	_ =	shalt  }
0x7a: {  	_ =	shalt  }
0x7b: {  	_ =	shalt  }
0x7c: {  	_ =	shalt  }
0x7d: {  	_ =	shalt  }
0x7e: {  	_ =	shalt  }
0x7f: {  	_ =	shalt  }
0x80: {  	_ =	shalt  }
0x81: {  	_ =	shalt  }
0x82: {  	_ =	shalt  }
0x83: {  	_ =	shalt  }
0x84: {  	_ =	shalt  }
0x85: {  	_ =	shalt  }
0x86: {  	_ =	shalt  }
0x87: {  	_ =	shalt  }
.Lfunc_end0:
.L_simem_size_0:
called_computation.1_lowered:
.L_overlay_start_0:
0x88: {  	s2 =	sld [smem:$0x3FD9]  }
0x89: {  	s3 =	sld [smem:$0x3FFE];
	_ =	sdelay $0x1  }
0x8a: {  	s1 =	srdreg.scid  }
0x8b: {  	s0 =	sand.u32 $0x1, s1  }
0x8c: {  	s16 =	sshll.u32 s0, $0xA;
	s2 =	sadd.s32 s3, s2  }
0x8d: {  	s2 =	sadd.s32 s2, s16  }
0x8e: {  	[smem:$0x3F7E] =	sst s2  }
0x8f: {  	_ = 	snop  }
0x90: {  	(tm) =	ssettm $0x1  }
0x91: {  	s17 =	sld [smem:$0x3FFB];
	_ =	sdelay $0x3  }
0x92: {  	_ =	strace s17  }
0x93: {  	s2 =	sld [smem:$0x3FFC];
	_ =	sdelay $0x3  }
0x94: {  	_ =	strace s2  }
0x95: {  	s2 =	sld [smem:$0x3FFD];
	_ =	sdelay $0x3  }
0x96: {  	_ =	strace s2  }
0x97: {  	_ =	strace $0x8FFFFFFF  }
0x98: {  	s18 =	sld [smem:$0x3FDB];
	_ =	sdelay $0x1  }
0x99: {  	s19 =	simm.s32 $_scs_section_size  }
0x9a: {  	s4 =	simm.s32 $_size__tile_overlayer_lowered;
	s5 =	simm.s32 $_tile_overlayer_lowered  }
0x9b: {  	s22 =	simm.s32 $0x1BFF;
	s21 =	sshll.u32 s5, $0x1;
	s2 =	sadd.s32 s19, s18  }
0x9c: {  	s6 =	simm.s32 $0x0;
	s20 =	sshll.u32 s4, $0x1;
	s4 =	sadd.s32 s21, s2  }
0x9d: {  	[timem:s6], [sflag:s22] =	dma.local [hbm:s4], s20  }
0x9e: {  	_ =	swait.ge [sflag:s22], s20  }
0x9f: {  	s3 =	ssub.s32 $0x0, s20;
	[sflag:s22] =	ssyncset.done $0x0  }
0xa0: {  	[sflag:s22] =	ssyncadd.s32 s3;
	_ =	sdelay $0x1  }
0xa1: {  	s23 =	simm.s32 $0x1B8B  }
0xa2: {  	_ =	swait.ge [sflag:s23], $0x1  }
0xa3: {  	[sflag:s23] =	ssyncset.done $0x0  }
0xa4: {  	s25 =	simm.s32 $0x1B8E;
	s24 =	sld [smem:$0x3FFE];
	[sflag:s23] =	ssyncadd.s32 $0xFFFFFFFF  }
0xa5: {  	s26 =	simm.s32 $execute0_lowered;
	[smem:$0x3FD2] =	sst s25  }
0xa6: {  	s4 =	sshll.u32 s26, $0x1;
	_ =	strace $0x80000046;
	[dreg:$0x1] =	wrdreg $0xFFFFFFFF  }
0xa7: {  	s28 =	simm.s32 $_size_execute0_lowered;
	s2 =	sadd.s32 s2, s4;
	[dreg:$0x0] =	wrdreg $0x0  }
0xa8: {  	s4 =	sshll.u32 s28, $0x1;
	[dreg:$0x2] =	wrdreg s2  }
0xa9: {  	[dreg:$0x3] =	wrdreg s4  }
0xaa: {  	[dreg:$0x4] =	wrdreg $0xC0  }
0xab: {  	_ =	task [dreg:s6], $0x5FFFF  }
0xac: {  	[dreg:$0x1] =	wrdreg $0xFFFFFFFF  }
0xad: {  	[dreg:$0x0] =	wrdreg $0x60  }
0xae: {  	[dreg:$0x2] =	wrdreg s24  }
0xaf: {  	[dreg:$0x3] =	wrdreg $0xA  }
0xb0: {  	_ =	task.clear_ibuf [dreg:s6], $0x4FFFF;
	_ =	strace $0x90000046  }
0xb1: {  	s29 =	simm.s32 $0xA;
	_ =	strace $0x80000048  }
0xb2: {  	_ =	swait.ge [sflag:s29], $0x1  }
0xb3: {  	[sflag:s29] =	ssyncadd.s32 $0xFFFFFFFF  }
0xb4: {  	_ =	strace $0x90000048  }
0xb5: {  	_ =	sfence  }
0xb6: {  	s30 =	sld [smem:$0x0];
	_ =	sdelay $0x2  }
0xb7: {  	s31 =	sshll.u32 s1, $0xD;
	s1 =	sshrl.u32 s1, $0x2  }
0xb8: {  	s3 =	sand.u32 $0x4000, s31;
	s1 =	sadd.s32 s1, s30  }
0xb9: {  	s0 =	sor.u32 s3, s0;
	s1 =	sshll.u32 s1, $0x11  }
0xba: {  	s0 =	sor.u32 s1, s0  }
0xbb: {  	s0 =	sadd.s32 $0x8F2B, s0  }
0xbc: {  	[sflag:s0] =	ssyncadd.remote.s32 $0x1  }
0xbd: {  	_ =	sfence.sel $0xFFFF  }
0xbe: {  	[dreg:$0x0] =	wrdreg $0xFFFFFFFF;
	(pc) =	sbr.abs _section_cstart, $3  }
0xbf: {  	[dreg:$0x1] =	wrdreg $0xFFFFFFFF  }
0xc0: {  	_ =	task.clear_ibuf [dreg:s6], $0x2FFFF;
	_ =	strace $0x9FFFFFFF  }
0xc1: {  	(tm) =	ssettm $0x7FFFFFFF  }
tec
execute0_lowered:
.L_overlay_start_1:
0x0: {  	(tag) =	ssettag $0x1  }
0x1: {  	s0 =	srdreg.scid;
	s5 =	rddreg [dreg:$0x0]  }
0x2: {  	s1 =	stileid.u32;
	s6 =	simm.s32 $0x1;
	s9 =	simm.s32 $0x1  }
0x3: {  	s10 =	simm.s32 $0x3;
	s13 =	simm.s32 $0x0;
	s2 =	sshll.u32 s0, $0x6  }
0x4: {  	s12 =	simm.s32 $0x0;
	s3 =	sshll.u32 s1, $0x7;
	s4 =	sand.u32 $0x40, s2  }
0x5: {  	s0 =	rddreg [dreg:$0x1];
	_ =	strace $0x80000047;
	s3 =	sor.u32 s3, s4  }
0x6: {  	s2 =	sadd.s32 $0x111A00, s5;
	[sflag:s6] =	ssyncpa.u1 $0x0;
	s8 =	ssub.s32 $0xC00, s3  }
.Ltmp0:
0x7: {  	s4 =	sadd.s32 $0x113C00, s5;
	s7 =	sand.u32 $0x7C0, s8;
	(pc) =	sbr.rel .LBB2_1-.Ltmp0, $4  }
0x8: {  	s5 =	sadd.s32 $0x143E00, s5;
	s11 =	smov.u32 s3;
	p0 =	sne.s32 s7, $0x0  }
0x9: {  	s8 =	sshrl.u32 s8, $0xB;
	s7 =	simm.s32 $0x2;
	s9 =	simm.s32 @!p0 $0x0  }
0xa: {  	[sflag:s7] =	ssyncpa.u1 $0x0;
	p0 =	por $0x0, $0x0;
	s8 =	sadd.s32 s9, s8  }
0xb: {  	vm0 =	vmmov $0xffff;
	[sflag:s10] =	ssyncpa.u1 $0x0;
	s10 =	simm.s32 $0x0;
	s9 =	sadd.s32 $0x1, s8  }
.LBB2_4:
0xc: {  	vm1 =	veq.s32 v0, $0x80000000;
	v61 =	vshll.u32 v0, $0xC;
	v3 =	vand.u32 $0xF80, v2  }
0xd: {  	v62 =	vand.u32 $0x7F, v2;
	v0 =	vand.u32 $0x7000, v61;
	v3 =	vsel vm1, $0xFFFFFF80, v3  }
0xe: {  	v2 =	vsel vm1, $0xFFFFFFFF, v62;
	v0 =	vsel vm1, $0xFFFFF000, v0;
	v4 =	vand.u32 $0xFFFFFC00, v3  }
0xf: {  	v63 =	vand.u32 $0xFFFFFC00, v2;
	v0 =	vadd.s32 v0, v4  }
0x10: {  	v3 =	vand.u32 $0x380, v3;
	v0 =	vadd.s32 v63, v0  }
0x11: {  	v2 =	vand.u32 $0x7F, v2;
	v0 =	vor.u32 v3, v0  }
0x12: {  	v0 =	vor.u32 v2, v0;
	_ =	sdelay $0x1  }
0x13: {  	(ifvalue) =	ssetifvalue $0x7FFFFFFF;
	s15 =	sadd.s32 $0x10, s15  }
0x14: {  	[tilespmem:s15], [sflag:$0x1] =	stream.indirect_vreg.gather [hbm4b:s2+s10], $0x1, v1, vm0, $0x4038;
	[tilespmem:$0x100] =	vst v63  }
0x15: {  	(ifvalue) =	ssetifvalue $0x7FFFFFFF;
	s15 =	sadd.s32 $0x10, s15  }
0x16: {  	[tilespmem:s15], [sflag:$0x1] =	stream.indirect_vreg.gather [hbm4b:s2+s10], $0x1, v0, vm0, $0x4038;
	[tilespmem:$0x100] =	vst v63  }
0x17: {  	_ =	swait.ge [sflag:s6], $0x40  }
0x18: {  	s30 =	sshrl.u32 s13, $0x3;
	[sflag:s6] =	ssyncset.done $0x0  }
0x19: {  	s31 =	sand.u32 $0x7, s13;
	s15 =	sadd.s32 s5, s30;
	[sflag:s6] =	ssyncadd.s32 $0xFFFFFFC0  }
0x1a: {  	[hbm4b:s15+s31] =	stream.linear.scatter [tilespmem:s14], [sflag:$0x3], $0x40, $0x38;
	[tilespmem:$0x100] =	vst v63  }
.LBB2_5:
0x1b: {  	s15 =	sadd.s32 $0x800, s11  }
0x1c: {  	p2 =	sgt.s32 s15, $0xBFF  }
0x1d: {  	s15 =	smov.u32 @p2 s3;
	p2 =	sne.s32 s12, s9  }
.Ltmp1:
0x1e: {  	p1 =	slt.u32 s12, $0x2;
	(pc) =	sbr.rel @!p2 .LBB2_6-.Ltmp1, $4  }
0x1f: {  	s14 =	simm.s32 @!p1 $0x3  }
0x20: {  	s16 =	sadd.s32 $0x1, s12;
	_ =	swait.ge @!p1 [sflag:s14], $0x40  }
0x21: {  	s13 =	smov.u32 s11;
	p0 =	por !p0, !p0;
	[sflag:s14] =	ssyncset.done @!p1 $0x0  }
0x22: {  	s12 =	smov.u32 s16;
	s11 =	smov.u32 s15;
	[sflag:s14] =	ssyncadd.s32 @!p1 $0xFFFFFFC0  }
.LBB2_1:
0x23: {  	p1 =	sge.u32 s12, s8  }
0x24: {  	s14 =	sxor.u32 @!p1 $0xFFFFFFFF, s12  }
0x25: {  	s31 =	sadd.s32 $0xFFFFFFFF, s12;
	s15 =	sshrl.u32 @!p1 s11, $0x3;
	s14 =	sshll.u32 @!p1 s14, $0x6  }
0x26: {  	s16 =	sand.u32 @!p1 $0x7, s11;
	s15 =	sadd.s32 @!p1 s4, s15;
	s14 =	sand.u32 @!p1 $0x40, s14  }
0x27: {  	[tilespmem:s14], [sflag:$0x2] =	stream.linear.gather @!p1 [hbm4b:s15+s16], $0x40, $0x38;
	[tilespmem:$0x100] =	vst v63  }
0x28: {  	p1 =	sge.u32 s31, s8  }
.Ltmp2:
0x29: {  	_ = 	snop;
	(pc) =	sbr.rel @p1 .LBB2_5-.Ltmp2, $1  }
0x2a: {  	_ =	sdelay $0x3  }
0x2b: {  	s14 =	simm.s32 $0x1  }
0x2c: {  	_ =	swait.ge [sflag:s7], $0x40;
	s14 =	simm.s32 @!p0 $0x0  }
0x2d: {  	[sflag:s7] =	ssyncset.done $0x0;
	s14 =	sshll.u32 s14, $0x6  }
0x2e: {  	[sflag:s7] =	ssyncadd.s32 $0xFFFFFFC0;
	(ifvalue) =	ssetifvalue $0x7FFFFFFF;
	v0 =	vld.msk [tilespmem:s14+$0x0 ss:$0x1], $0xffff;
	_ =	sdelay $0x3  }
0x2f: {  	s15 =	sadd.s32 $0x10, s14  }
0x30: {  	v3 =	vld.msk [tilespmem:s15+$0x0 ss:$0x1], $0xffff;
	v1 =	vshrl.u32 v0, $0x3  }
0x31: {  	vm1 =	veq.s32 v0, $0x80000000;
	v0 =	vshll.u32 v0, $0xC;
	v2 =	vand.u32 $0xF80, v1  }
0x32: {  	v1 =	vand.u32 $0x7F, v1;
	v0 =	vand.u32 $0x7000, v0;
	v2 =	vsel vm1, $0xFFFFFF80, v2  }
0x33: {  	v1 =	vsel vm1, $0xFFFFFFFF, v1;
	v0 =	vsel vm1, $0xFFFFF000, v0;
	v4 =	vand.u32 $0xFFFFFC00, v2  }
0x34: {  	v61 =	vand.u32 $0xFFFFFC00, v1;
	v0 =	vadd.s32 v0, v4  }
0x35: {  	vm1 =	veq.s32 v3, $0x80000000;
	v2 =	vand.u32 $0x380, v2;
	v0 =	vadd.s32 v61, v0  }
0x36: {  	v1 =	vand.u32 $0x7F, v1;
	v0 =	vor.u32 v2, v0;
	v2 =	vshrl.u32 v3, $0x3  }
0x37: {  	s17 =	sadd.s32 $0x10, s15;
	v3 =	vshll.u32 v3, $0xC;
	v1 =	vor.u32 v1, v0;
	v62 =	vand.u32 $0xF80, v2  }
0x38: {  	v0 =	vld.msk [tilespmem:s17+$0x0 ss:$0x1], $0xffff;
	v2 =	vand.u32 $0x7F, v2;
	v3 =	vand.u32 $0x7000, v3;
	v4 =	vsel vm1, $0xFFFFFF80, v62  }
0x39: {  	v2 =	vsel vm1, $0xFFFFFFFF, v2;
	v3 =	vsel vm1, $0xFFFFF000, v3;
	v5 =	vand.u32 $0xFFFFFC00, v4  }
0x3a: {  	s31 =	sshll.u32 s12, $0x6;
	v63 =	vand.u32 $0xFFFFFC00, v2;
	v3 =	vadd.s32 v3, v5  }
0x3b: {  	s15 =	sor.u32 $0x80, s14;
	s14 =	sand.u32 $0x40, s31;
	(ifvalue) =	ssetifvalue $0x7FFFFFFF;
	v4 =	vand.u32 $0x380, v4;
	v3 =	vadd.s32 v63, v3  }
0x3c: {  	[tilespmem:s15], [sflag:$0x1] =	stream.indirect_vreg.gather [hbm4b:s2+s10], $0x1, v1, vm0, $0x4038;
	v1 =	vand.u32 $0x7F, v2;
	v3 =	vor.u32 v4, v3;
	[tilespmem:$0x100] =	vst v63  }
0x3d: {  	s16 =	simm.s32 $0x20;
	s14 =	sor.u32 $0x80, s14;
	s17 =	sadd.s32 $0x10, s17;
	v2 =	vshrl.u32 v0, $0x3;
	v1 =	vor.u32 v1, v3  }
.LBB2_3:
0x3e: {  	s16 =	sadd.s32 $0x10, s16;
	vm1 =	veq.s32 v0, $0x80000000;
	v3 =	vshll.u32 v0, $0xC;
	v0 =	vld.msk [tilespmem:s17+$0x0 ss:$0x1], $0xffff;
	v4 =	vand.u32 $0xF80, v2  }
0x3f: {  	v2 =	vand.u32 $0x7F, v2;
	p1 =	slt.u32 s16, $0x30;
	v3 =	vand.u32 $0x7000, v3;
	v4 =	vsel vm1, $0xFFFFFF80, v4  }
.Ltmp3:
0x40: {  	v2 =	vsel vm1, $0xFFFFFFFF, v2;
	v3 =	vsel vm1, $0xFFFFF000, v3;
	v5 =	vand.u32 $0xFFFFFC00, v4;
	(pc) =	sbr.rel @p1 .LBB2_3-.Ltmp3, $4  }
0x41: {  	s15 =	sadd.s32 $0x10, s15;
	v3 =	vadd.s32 v3, v5;
	v5 =	vand.u32 $0xFFFFFC00, v2;
	(ifvalue) =	ssetifvalue $0x7FFFFFFF  }
0x42: {  	v4 =	vand.u32 $0x380, v4;
	v3 =	vadd.s32 v5, v3;
	[tilespmem:s15], [sflag:$0x1] =	stream.indirect_vreg.gather [hbm4b:s2+s10], $0x1, v1, vm0, $0x4038;
	[tilespmem:$0x100] =	vst v63  }
0x43: {  	v1 =	vand.u32 $0x7F, v2;
	v3 =	vor.u32 v4, v3  }
0x44: {  	s17 =	sadd.s32 $0x10, s17;
	v2 =	vshrl.u32 v0, $0x3;
	v1 =	vor.u32 v1, v3  }
.Ltmp4:
0x45: {  	_ = 	snop;
	(pc) =	sbr.rel .LBB2_4-.Ltmp4, $1  }
0x46: {  	_ =	sdelay $0x3  }
.LBB2_6:
0x47: {  	_ =	sfence.sel $0x180000  }
0x48: {  	s2 =	simm.s32 $0x2;
	[bflag:$0x0] =	sbarrier.arrive $0xFFFF  }
0x49: {  	s30 =	simm.s32 $0x3;
	[sflag:s2] =	ssyncpa.u1 $0x1  }
0x4a: {  	s31 =	simm.s32 $0x1;
	[sflag:s30] =	ssyncpa.u1 $0x1  }
0x4b: {  	[sflag:s31] =	ssyncpa.u1 $0x1  }
0x4c: {  	p0 =	sne.s32 s1, $0x0;
	_ =	strace $0x90000047  }
0x4d: {  	s0 =	sadd.s32 @!p0 $0x100000, s0;
	[bflag:$0x2] =	sbarrier.arrive $0xFFFF  }
0x4e: {  	[sflag:s0] =	ssyncadd.tile.s32 @!p0 $0x1;
	_ =	shalt  }
.Lfunc_end2:
_tile_overlayer_lowered:
.L_overlay_start_2:
0x4f: {  	(tag) =	ssettag $0x2  }
0x50: {  	s0 =	rddreg [dreg:$0x0];
	s2 =	stileid.u32  }
0x51: {  	s1 =	rddreg [dreg:$0x1];
	p0 =	sne.s32 s2, $0x0  }
0x52: {  	s3 =	rddreg [dreg:$0x2];
	[bflag:$0x3] =	sbarrier.arrive $0xFFFF;
	s2 =	simm.s32 @!p0 $0x1C01  }
0x53: {  	[timem:s3], [sflag:s2] =	dma.local @!p0 [hbm:s0], s1  }
0x54: {  	s0 =	simm.s32 @!p0 $0x1  }
0x55: {  	_ =	swait.ge @!p0 [sflag:s0], s1  }
0x56: {  	s1 =	ssub.s32 @!p0 $0x0, s1;
	[sflag:s0] =	ssyncset.done @!p0 $0x0  }
0x57: {  	[sflag:s0] =	ssyncadd.s32 @!p0 s1  }
0x58: {  	[bflag:$0x3] =	sbarrier.arrive $0xFFFF  }
0x59: {  	_ =	shalt  }

// kernel: sparse-core-data-format-call.cloned.1.call-start
scs
called_computation_lowered:
.L_overlay_start_0:
0x0: {  	s2 =	sld [smem:$0x3FD9]  }
0x1: {  	s3 =	sld [smem:$0x3FFE];
	_ =	sdelay $0x1  }
0x2: {  	s1 =	srdreg.scid  }
0x3: {  	s0 =	sand.u32 $0x1, s1  }
0x4: {  	s18 =	sshll.u32 s0, $0xA;
	s2 =	sadd.s32 s3, s2  }
0x5: {  	s2 =	sadd.s32 s2, s18  }
0x6: {  	[smem:$0x3F7E] =	sst s2  }
0x7: {  	_ = 	snop  }
0x8: {  	(tm) =	ssettm $0x1  }
0x9: {  	s19 =	sld [smem:$0x3FFB];
	_ =	sdelay $0x3  }
0xa: {  	_ =	strace s19  }
0xb: {  	s2 =	sld [smem:$0x3FFC];
	_ =	sdelay $0x3  }
0xc: {  	_ =	strace s2  }
0xd: {  	s2 =	sld [smem:$0x3FFD];
	_ =	sdelay $0x3  }
0xe: {  	_ =	strace s2  }
0xf: {  	_ =	strace $0x8FFFFFFF  }
0x10: {  	s20 =	sld [smem:$0x3FDB];
	_ =	sdelay $0x1  }
0x11: {  	s21 =	simm.s32 $_scs_section_size  }
0x12: {  	s4 =	simm.s32 $_size__tile_overlayer_lowered;
	s5 =	simm.s32 $_tile_overlayer_lowered  }
0x13: {  	s6 =	simm.s32 $0x1BFF;
	s22 =	sshll.u32 s5, $0x1;
	s3 =	sadd.s32 s21, s20  }
0x14: {  	s23 =	simm.s32 $0x0;
	s4 =	sshll.u32 s4, $0x1;
	s5 =	sadd.s32 s22, s3  }
0x15: {  	[timem:s23], [sflag:s6] =	dma.local [hbm:s5], s4  }
0x16: {  	_ =	swait.ge [sflag:s6], s4  }
0x17: {  	s4 =	ssub.s32 $0x0, s4;
	[sflag:s6] =	ssyncset.done $0x0  }
0x18: {  	[sflag:s6] =	ssyncadd.s32 s4;
	_ =	sdelay $0x1  }
0x19: {  	s24 =	simm.s32 $0x1B8B  }
0x1a: {  	_ =	swait.ge [sflag:s24], $0x1  }
0x1b: {  	[sflag:s24] =	ssyncset.done $0x0  }
0x1c: {  	[sflag:s24] =	ssyncadd.s32 $0xFFFFFFFF  }
0x1d: {  	s4 =	sld [smem:$0x0]  }
0x1e: {  	s5 =	sand.u32 $0xFFFFFFFE, s1  }
0x1f: {  	p0 =	sne.s32 s1, s5  }
0x20: {  	s5 =	sshll.u32 @p0 s5, $0xE  }
0x21: {  	s5 =	sadd.s32 @p0 $0x11B8D, s5;
	s6 =	sshll.u32 @p0 s4, $0x11  }
0x22: {  	s5 =	sor.u32 @p0 s6, s5  }
0x23: {  	[sflag:s5] =	ssyncadd.remote.s32 @p0 $0x1;
	_ =	sdelay $0x1  }
0x24: {  	s5 =	simm.s32 @p0 $0x1B8D  }
0x25: {  	_ =	swait.eq @p0 [sflag:s5], $0x1  }
0x26: {  	[sflag:s5] =	ssyncadd.s32 @p0 $0xFFFFFFFF  }
0x27: {  	s6 =	sshll.u32 @!p0 s1, $0xE  }
0x28: {  	s6 =	sor.u32 @!p0 $0x4000, s6;
	s5 =	simm.s32 @!p0 $0x1B8D  }
0x29: {  	s4 =	sshll.u32 @!p0 s4, $0x11;
	s6 =	sadd.s32 @!p0 $0x11B8D, s6;
	_ =	swait.eq @!p0 [sflag:s5], $0x1  }
0x2a: {  	s4 =	sor.u32 @!p0 s4, s6;
	[sflag:s5] =	ssyncadd.s32 @!p0 $0xFFFFFFFF  }
0x2b: {  	s26 =	simm.s32 $0x1B8E;
	s25 =	sld [smem:$0x3FFE];
	[sflag:s4] =	ssyncadd.remote.s32 @!p0 $0x1  }
0x2c: {  	s27 =	simm.s32 $execute0_lowered;
	[smem:$0x3FD2] =	sst s26  }
0x2d: {  	s5 =	sshll.u32 s27, $0x1;
	_ =	strace $0x8000004C;
	[dreg:$0x1] =	wrdreg $0xFFFFFFFF  }
0x2e: {  	s28 =	simm.s32 $_size_execute0_lowered;
	s3 =	sadd.s32 s3, s5;
	[dreg:$0x0] =	wrdreg $0x0  }
0x2f: {  	s5 =	sshll.u32 s28, $0x1;
	[dreg:$0x2] =	wrdreg s3  }
0x30: {  	[dreg:$0x3] =	wrdreg s5  }
0x31: {  	[dreg:$0x4] =	wrdreg $0xC0  }
0x32: {  	_ =	task [dreg:s23], $0x5FFFF  }
0x33: {  	[dreg:$0x1] =	wrdreg $0xFFFFFFFF  }
0x34: {  	[dreg:$0x0] =	wrdreg $0x60  }
0x35: {  	[dreg:$0x2] =	wrdreg s25  }
0x36: {  	[dreg:$0x3] =	wrdreg $0x9  }
0x37: {  	_ =	task.clear_ibuf [dreg:s23], $0x4FFFF;
	_ =	strace $0x9000004C  }
0x38: {  	s29 =	simm.s32 $0x9;
	_ =	strace $0x8000004E  }
0x39: {  	_ =	swait.ge [sflag:s29], $0x1  }
0x3a: {  	[sflag:s29] =	ssyncadd.s32 $0xFFFFFFFF  }
0x3b: {  	_ =	strace $0x9000004E  }
0x3c: {  	_ =	sfence  }
0x3d: {  	s30 =	sld [smem:$0x0];
	_ =	sdelay $0x2  }
0x3e: {  	s31 =	sshll.u32 s1, $0xD;
	s1 =	sshrl.u32 s1, $0x2  }
0x3f: {  	s4 =	sand.u32 $0x4000, s31;
	s1 =	sadd.s32 s1, s30  }
0x40: {  	s0 =	sor.u32 s4, s0;
	s1 =	sshll.u32 s1, $0x11  }
0x41: {  	s0 =	sor.u32 s1, s0  }
0x42: {  	s0 =	sadd.s32 $0x8F2B, s0  }
0x43: {  	[sflag:s0] =	ssyncadd.remote.s32 $0x1  }
0x44: {  	_ =	sfence.sel $0xFFFF  }
0x45: {  	[dreg:$0x0] =	wrdreg $0xFFFFFFFF;
	(pc) =	sbr.abs _section_cstart, $3  }
0x46: {  	[dreg:$0x1] =	wrdreg $0xFFFFFFFF  }
0x47: {  	_ =	task.clear_ibuf [dreg:s23], $0x2FFFF;
	_ =	strace $0x9FFFFFFF  }
0x48: {  	(tm) =	ssettm $0x7FFFFFFF  }
0x49: {  	_ =	shalt  }
tec
execute0_lowered:
.L_overlay_start_1:
0x0: {  	(tag) =	ssettag $0x1  }
0x1: {  	s0 =	stileid.u32;
	s1 =	srdreg.scid  }
0x2: {  	s4 =	rddreg [dreg:$0x0];
	s7 =	simm.s32 $0x1;
	s31 =	simm.s32 $0x2  }
0x3: {  	s16 =	simm.s32 $0x0;
	s2 =	sshll.u32 s0, $0x4;
	s1 =	sshll.u32 s1, $0x8  }
0x4: {  	s9 =	simm.s32 $0x4000;
	s14 =	simm.s32 $0x0;
	s1 =	sor.u32 s2, s1  }
0x5: {  	s15 =	simm.s32 $0x0;
	s10 =	simm.s32 $0x0;
	s2 =	sand.u32 $0x180, s1  }
0x6: {  	s13 =	simm.s32 $0x0;
	s3 =	sadd.s32 $0x144000, s4;
	s5 =	ssub.s32 $0x800, s2  }
0x7: {  	s4 =	sadd.s32 $0x244000, s4;
	s1 =	rddreg [dreg:$0x1];
	s6 =	sand.u32 $0x180, s5  }
.Ltmp0:
0x8: {  	_ =	strace $0x8000004D;
	p0 =	sne.s32 s6, $0x0;
	(pc) =	sbr.rel .LBB1_1-.Ltmp0, $4  }
0x9: {  	s11 =	smov.u32 s2;
	s8 =	sshrl.u32 s5, $0x9;
	s7 =	simm.s32 @!p0 $0x0  }
0xa: {  	s5 =	sand.u32 $0x7, s0;
	s6 =	simm.s32 $0x1;
	s7 =	sadd.s32 s7, s8  }
0xb: {  	s12 =	smov.u32 s5;
	[sflag:s6] =	ssyncpa.u1 $0x0;
	s7 =	sshll.u32 s7, $0x2  }
0xc: {  	p0 =	por $0x0, $0x0;
	[sflag:s31] =	ssyncpa.u1 $0x0;
	s8 =	sor.u32 $0x1, s7  }
.LBB1_4:
0xd: {  	v5 =	vld [tilespmem:s19+$0xFFFFFFD0];
	[tilespmem:s20+$0x2040 ss:$0x81] =	vst.msk $0xffff, v1  }
0xe: {  	v58 =	vld [tilespmem:s19+$0xFFFFFFE0];
	[tilespmem:s20+$0x2850 ss:$0x81] =	vst.msk $0xffff, v2  }
0xf: {  	s21 =	sshra.s32 s21, $0x2;
	v59 =	vld [tilespmem:s19+$0xFFFFFFF0];
	[tilespmem:s20+$0x3060 ss:$0x81] =	vst.msk $0xffff, v3  }
0x10: {  	v60 =	vld [tilespmem:s19+$0x0];
	[tilespmem:s20+$0x0 ss:$0x81] =	vst.msk $0xffff, v0;
	s18 =	sadd.s32 s21, s18  }
0x11: {  	v61 =	vld [tilespmem:s19+$0x10];
	s26 =	sshll.u32 s16, $0xB;
	[tilespmem:s18+$0x3870 ss:$0x81] =	vst.msk $0xffff, v4  }
0x12: {  	v62 =	vld [tilespmem:s19+$0x20];
	s27 =	sand.u32 $0x78, s14;
	s22 =	sshll.u32 s14, $0x3;
	s29 =	sshll.u32 s16, $0x7;
	[tilespmem:s18+$0x810 ss:$0x81] =	vst.msk $0xffff, v5  }
0x13: {  	v63 =	vld [tilespmem:s19+$0xFFFFFFC0];
	s15 =	sshll.u32 s15, $0x11;
	s20 =	sand.u32 $0xFC000, s26;
	s28 =	sand.u32 $0xFFC00, s22;
	[tilespmem:s18+$0x1020 ss:$0x81] =	vst.msk $0xffff, v58  }
0x14: {  	s31 =	sand.u32 $0x7, s14;
	s22 =	sand.u32 $0x400, s22;
	s19 =	sadd.s32 s28, s20;
	[tilespmem:s18+$0x1830 ss:$0x81] =	vst.msk $0xffff, v59  }
0x15: {  	s16 =	sand.u32 $0x380, s29;
	s30 =	sor.u32 s27, s22;
	s19 =	sshrl.u32 s19, $0x3;
	[tilespmem:s18+$0x2040 ss:$0x81] =	vst.msk $0xffff, v60  }
0x16: {  	s15 =	sadd.s32 s4, s15;
	s16 =	sor.u32 s16, s30;
	s19 =	sand.u32 $0x1FF00, s19;
	[tilespmem:s18+$0x2850 ss:$0x81] =	vst.msk $0xffff, v61  }
0x17: {  	s14 =	sshll.u32 s31, $0x12;
	s16 =	sshrl.u32 s16, $0x3;
	[tilespmem:s18+$0x3060 ss:$0x81] =	vst.msk $0xffff, v62;
	s15 =	sadd.s32 s19, s15  }
0x18: {  	s14 =	sor.u32 $0x400, s14;
	[tilespmem:s18+$0x0 ss:$0x81] =	vst.msk $0xffff, v63;
	s15 =	sadd.s32 s16, s15  }
0x19: {  	[hbm4b:s15+s14] =	stream.strided.scatter [tilespmem:s17], [sflag:$0x2], $0x4000, s9, s14, $0x20;
	[tilespmem:$0x10100] =	vst v63  }
.LBB1_5:
0x1a: {  	s17 =	sadd.s32 $0x80, s10  }
0x1b: {  	s14 =	sadd.s32 $0x200, s11;
	s18 =	smov.u32 s11;
	p2 =	sgt.s32 s17, $0x1FF  }
0x1c: {  	s18 =	smov.u32 @p2 s14  }
0x1d: {  	s20 =	smov.u32 s12;
	s14 =	sadd.s32 $0x8, s12;
	p3 =	sgt.s32 s18, $0x7FF  }
0x1e: {  	s20 =	smov.u32 @p3 s14  }
0x1f: {  	s17 =	simm.s32 @p2 $0x0;
	p2 =	sgt.s32 s20, $0x7  }
0x20: {  	p1 =	slt.u32 s13, $0x2;
	s20 =	smov.u32 @p2 s5;
	p2 =	sne.s32 s13, s8  }
.Ltmp1:
0x21: {  	s19 =	simm.s32 @!p1 $0x2;
	(pc) =	sbr.rel @!p2 .LBB1_6-.Ltmp1, $4  }
0x22: {  	s16 =	smov.u32 s10;
	s15 =	smov.u32 s12;
	_ =	swait.ge @!p1 [sflag:s19], $0x4000  }
0x23: {  	p0 =	por !p0, !p0;
	[sflag:s19] =	ssyncset.done @!p1 $0x0;
	s10 =	smov.u32 s17  }
0x24: {  	s18 =	smov.u32 @p3 s2;
	s14 =	smov.u32 s11;
	[sflag:s19] =	ssyncadd.s32 @!p1 $0xFFFFC000  }
0x25: {  	s11 =	smov.u32 s18;
	s13 =	sadd.s32 $0x1, s13;
	s12 =	smov.u32 s20  }
.LBB1_1:
0x26: {  	p1 =	sge.u32 s13, s7  }
0x27: {  	s31 =	sadd.s32 $0xFFFFFFFF, s13;
	s17 =	sxor.u32 @!p1 $0xFFFFFFFF, s13  }
0x28: {  	s18 =	sshll.u32 @!p1 s11, $0x9;
	s19 =	sshll.u32 @!p1 s10, $0x3;
	s20 =	sshll.u32 @!p1 s11, $0x7  }
0x29: {  	s21 =	sand.u32 @!p1 $0x78, s10;
	s18 =	sand.u32 @!p1 $0xFF000, s18;
	s19 =	sand.u32 @!p1 $0xFFC00, s19  }
0x2a: {  	s17 =	sshll.u32 @!p1 s17, $0xE;
	s18 =	sadd.s32 @!p1 s18, s19;
	s19 =	sand.u32 @!p1 $0x200, s20  }
0x2b: {  	s17 =	sand.u32 @!p1 $0x4000, s17;
	s18 =	sor.u32 @!p1 s19, s18;
	s19 =	sand.u32 @!p1 $0x180, s20  }
0x2c: {  	s20 =	sshll.u32 @!p1 s12, $0x11;
	s19 =	sor.u32 @!p1 s21, s19;
	s18 =	sshrl.u32 @!p1 s18, $0x3  }
0x2d: {  	s20 =	sadd.s32 @!p1 s3, s20;
	s21 =	sand.u32 @!p1 $0x7, s10;
	s19 =	sshrl.u32 @!p1 s19, $0x3  }
0x2e: {  	s18 =	sand.u32 @!p1 $0x1FFC0, s18;
	s19 =	sadd.s32 @!p1 s19, s20;
	s20 =	sshll.u32 @!p1 s21, $0x12  }
0x2f: {  	s18 =	sadd.s32 @!p1 s18, s19;
	s19 =	sor.u32 @!p1 $0x400, s20;
	s20 =	simm.s32 @!p1 $0x1000  }
0x30: {  	[tilespmem:s17], [sflag:$0x1] =	stream.strided.gather @!p1 [hbm4b:s18+s19], $0x4000, s20, s19, $0x38;
	[tilespmem:$0x10100] =	vst v63  }
0x31: {  	p1 =	sge.u32 s31, s7  }
.Ltmp2:
0x32: {  	_ = 	snop;
	(pc) =	sbr.rel @p1 .LBB1_5-.Ltmp2, $1  }
0x33: {  	_ =	sdelay $0x3  }
0x34: {  	s17 =	simm.s32 $0x1  }
0x35: {  	_ =	swait.ge [sflag:s6], $0x4000;
	s17 =	simm.s32 @!p0 $0x0  }
0x36: {  	[sflag:s6] =	ssyncset.done $0x0;
	s18 =	sshll.u32 s17, $0xE  }
0x37: {  	[sflag:s6] =	ssyncadd.s32 $0xFFFFC000;
	s19 =	sor.u32 $0x40, s18  }
0x38: {  	s17 =	smul.u32 $0x10200, s17;
	v0 =	vld [tilespmem:s19+$0x30]  }
0x39: {  	v3 =	vld [tilespmem:s19+$0xFFFFFFD0]  }
0x3a: {  	s17 =	sshrl.u32 s17, $0x2;
	v4 =	vld [tilespmem:s19+$0xFFFFFFE0]  }
0x3b: {  	v5 =	vld [tilespmem:s19+$0xFFFFFFF0];
	s18 =	sor.u32 $0x8000, s17  }
0x3c: {  	s31 =	sand.u32 $0x1, s13;
	v1 =	vld [tilespmem:s19+$0x0];
	s20 =	sadd.s32 $0x0, s18  }
0x3d: {  	v2 =	vld [tilespmem:s19+$0x10];
	s17 =	smul.u32 $0x10200, s31;
	[tilespmem:s20+$0x3870 ss:$0x81] =	vst.msk $0xffff, v0  }
0x3e: {  	[tilespmem:s20+$0x810 ss:$0x81] =	vst.msk $0xffff, v3;
	v3 =	vld [tilespmem:s19+$0x20]  }
0x3f: {  	s17 =	sshrl.u32 s17, $0x2;
	v0 =	vld [tilespmem:s19+$0xFFFFFFC0];
	[tilespmem:s20+$0x1020 ss:$0x81] =	vst.msk $0xffff, v4;
	s19 =	sadd.s32 $0x80, s19  }
0x40: {  	s21 =	simm.s32 $0x4;
	s22 =	simm.s32 $0x8;
	s17 =	sor.u32 $0x8000, s17;
	[tilespmem:s20+$0x1830 ss:$0x81] =	vst.msk $0xffff, v5;
	v4 =	vld [tilespmem:s19+$0x30]  }
.LBB1_3:
0x41: {  	p1 =	sne.s32 s22, $0x1FC;
	v5 =	vld [tilespmem:s19+$0xFFFFFFD0];
	[tilespmem:s20+$0x2040 ss:$0x81] =	vst.msk $0xffff, v1  }
0x42: {  	v6 =	vld [tilespmem:s19+$0xFFFFFFE0];
	[tilespmem:s20+$0x2850 ss:$0x81] =	vst.msk $0xffff, v2  }
0x43: {  	s23 =	sshra.s32 s21, $0x2;
	s21 =	smov.u32 s22;
	v7 =	vld [tilespmem:s19+$0xFFFFFFF0];
	[tilespmem:s20+$0x3060 ss:$0x81] =	vst.msk $0xffff, v3  }
.Ltmp3:
0x44: {  	v1 =	vld [tilespmem:s19+$0x0];
	[tilespmem:s20+$0x0 ss:$0x81] =	vst.msk $0xffff, v0;
	s20 =	sadd.s32 s23, s18;
	(pc) =	sbr.rel @p1 .LBB1_3-.Ltmp3, $4  }
0x45: {  	v2 =	vld [tilespmem:s19+$0x10];
	[tilespmem:s20+$0x3870 ss:$0x81] =	vst.msk $0xffff, v4  }
0x46: {  	[tilespmem:s20+$0x810 ss:$0x81] =	vst.msk $0xffff, v5;
	v3 =	vld [tilespmem:s19+$0x20]  }
0x47: {  	v0 =	vld [tilespmem:s19+$0xFFFFFFC0];
	[tilespmem:s20+$0x1020 ss:$0x81] =	vst.msk $0xffff, v6;
	s19 =	sadd.s32 $0x80, s19  }
0x48: {  	s22 =	sadd.s32 $0x4, s22;
	v4 =	vld [tilespmem:s19+$0x30];
	[tilespmem:s20+$0x1830 ss:$0x81] =	vst.msk $0xffff, v7  }
.Ltmp4:
0x49: {  	_ = 	snop;
	(pc) =	sbr.rel .LBB1_4-.Ltmp4, $1  }
0x4a: {  	_ =	sdelay $0x3  }
.LBB1_6:
0x4b: {  	_ =	sfence.sel $0x180000  }
0x4c: {  	s2 =	simm.s32 $0x1;
	[bflag:$0x0] =	sbarrier.arrive $0xFFFF  }
0x4d: {  	s31 =	simm.s32 $0x2;
	[sflag:s2] =	ssyncpa.u1 $0x1  }
0x4e: {  	[sflag:s31] =	ssyncpa.u1 $0x1  }
0x4f: {  	p0 =	sne.s32 s0, $0x0;
	_ =	strace $0x9000004D  }
0x50: {  	s0 =	sadd.s32 @!p0 $0x100000, s1;
	[bflag:$0x2] =	sbarrier.arrive $0xFFFF  }
0x51: {  	[sflag:s0] =	ssyncadd.tile.s32 @!p0 $0x1;
	_ =	shalt  }
.Lfunc_end1:
_tile_overlayer_lowered:
.L_overlay_start_2:
0x52: {  	(tag) =	ssettag $0x2  }
0x53: {  	s0 =	rddreg [dreg:$0x0];
	s2 =	stileid.u32  }
0x54: {  	s1 =	rddreg [dreg:$0x1];
	p0 =	sne.s32 s2, $0x0  }
0x55: {  	s3 =	rddreg [dreg:$0x2];
	[bflag:$0x3] =	sbarrier.arrive $0xFFFF;
	s2 =	simm.s32 @!p0 $0x1C01  }
0x56: {  	[timem:s3], [sflag:s2] =	dma.local @!p0 [hbm:s0], s1  }
0x57: {  	s0 =	simm.s32 @!p0 $0x1  }
0x58: {  	_ =	swait.ge @!p0 [sflag:s0], s1  }
0x59: {  	s1 =	ssub.s32 @!p0 $0x0, s1;
	[sflag:s0] =	ssyncset.done @!p0 $0x0  }
0x5a: {  	[sflag:s0] =	ssyncadd.s32 @!p0 s1  }
0x5b: {  	[bflag:$0x3] =	sbarrier.arrive $0xFFFF  }
0x5c: {  	_ =	shalt  }

</sc_bundles>
